<compile_context>
chip_gen: v7x
topology: tpu7x:2x2x1
jax: 0.10.2.dev20260603
libtpu: 0.0.44.dev20260713+nightly
codegen_flags: <defaults>
</compile_context>

<pallas_src>
import functools

import jax
import jax.numpy as jnp
from jax import lax
from jax.experimental import pallas as pl
from jax.experimental.pallas import tpu as pltpu
from jax.experimental.pallas import tpu_sc as plsc

MAX_GOALS = 1000000
G = 16384
NUM_CORES = 1
NUM_SUBCORES = 16
LANES = 16
NW = NUM_CORES * NUM_SUBCORES
B_PER_W = G // NW
CHUNK = 128
NCHUNK = B_PER_W // CHUNK

_mesh = plsc.VectorSubcoreMesh(
    core_axis_name="c", subcore_axis_name="s", num_cores=NUM_CORES
)


@functools.partial(
    pl.kernel,
    mesh=_mesh,
    out_type=jax.ShapeDtypeStruct((NW, NCHUNK, CHUNK), jnp.float32),
    scratch_types=[
        pltpu.VMEM((NCHUNK, CHUNK), jnp.int32),
        pltpu.VMEM((NCHUNK, CHUNK), jnp.float32),
        pltpu.SemaphoreType.DMA,
        pltpu.SemaphoreType.DMA,
    ],
)
def _boost_kernel(idx_hbm, ema_hbm, out_hbm, idx_v, vals_v, isem, gsem):
    wid = lax.axis_index("s") * NUM_CORES + lax.axis_index("c")
    stages = [
        pltpu.async_copy(idx_hbm.at[wid, j], idx_v.at[j], isem)
        for j in range(NCHUNK)
    ]
    copies = []
    for j in range(NCHUNK):
        stages[j].wait()
        copies.append(
            pltpu.async_copy(ema_hbm.at[idx_v.at[j]], vals_v.at[j], gsem)
        )
    for c in copies:
        c.wait()
    for j in range(NCHUNK):
        for i in range(CHUNK // LANES):
            sl = pl.ds(i * LANES, LANES)
            vals_v[j, sl] = vals_v[j, sl] - 0.5
    pltpu.sync_copy(vals_v, out_hbm.at[wid])


def kernel(goal_indices, goal_success_ema):
    idx = goal_indices.astype(jnp.int32).reshape(NW, NCHUNK, CHUNK)
    out = _boost_kernel(idx, goal_success_ema)
    return out.reshape(G)

# --- scband reference (transcript-rebuilt; emitter-appended) ---
"""Pipeline reference for scband-hypothesis-tracker-70025146794729 (READ-ONLY COPY).

The authoritative reference and input builder live on the scoring server;
editing this copy changes nothing except your own understanding.
"""

import jax, jax.numpy as jnp
import numpy as np

MAX_GOALS = 1000000
G = 16384


def setup_inputs(seed: int = 0) -> dict:
    key = jax.random.key(seed)
    k1, k2 = jax.random.split(key)
    # forward arg: global goal slot indices
    goal_indices = jax.random.randint(k1, (G,), 0, MAX_GOALS)
    # learned/running-state buffer: per-goal success EMA (initialized 0.5 in torch,
    # but materialized with realistic nontrivial values here)
    goal_success_ema = jax.random.uniform(k2, (MAX_GOALS,), dtype=jnp.float32)
    return {"goal_indices": goal_indices, "goal_success_ema": goal_success_ema}


def reference(goal_indices, goal_success_ema):
    # Faithful translation of HypothesisTracker.goal_priority_boost:
    #   valid = goal_indices < max_goals
    #   boosts = zeros(G); boosts[valid] = goal_success_ema[goal_indices[valid]] - 0.5
    valid = goal_indices < MAX_GOALS
    safe_idx = jnp.where(valid, goal_indices, 0)
    gathered = jnp.take(goal_success_ema, safe_idx, axis=0)
    boosts = jnp.where(valid, gathered - 0.5, jnp.zeros_like(gathered))
    return boosts

if __name__ == "__main__":
    import jax
    _d = setup_inputs()
    print(jax.jit(kernel)(*tuple(_d.values())))

</pallas_src>

<mosaic_0001>
#map = affine_map<(d0, d1) -> (0, 0, 0)>
#map1 = affine_map<(d0, d1) -> (0)>
module attributes {stable_mosaic.version = 14 : i64} {
  func.func @_boost_kernel(%arg0: i32, %arg1: i32, %arg2: memref<16x8x128xi32, #tpu.memory_space<hbm>>, %arg3: memref<1000000xf32, #tpu.memory_space<hbm>>, %arg4: memref<16x8x128xf32, #tpu.memory_space<hbm>>, %arg5: memref<8x128xi32, #tpu.memory_space<vmem>>, %arg6: memref<8x128xf32, #tpu.memory_space<vmem>>, %arg7: memref<!tpu.dma_semaphore, #tpu.memory_space<semaphore_mem>>, %arg8: memref<!tpu.dma_semaphore, #tpu.memory_space<semaphore_mem>>) attributes {dimension_semantics = [#tpu.dimension_semantics<core_parallel>, #tpu.dimension_semantics<subcore_parallel>], iteration_bounds = array<i64: 1, 16>, scalar_prefetch = 0 : i64, scratch_operands = 4 : i64, tpu.core_type = #tpu.core_type<sc_vector_subcore>, window_params = [{transform_indices = #map}, {transform_indices = #map1}, {transform_indices = #map}]} {
    %mul3A = arith.constant 1 : i32
    %mul3A_0 = arith.muli %arg1, %mul3A : i32
    %add3A = arith.addi %mul3A_0, %arg0 : i32
    %dma_start3A = arith.constant 0 : i32
    %dma_start3A_1 = arith.constant 0 : i32
    %dma_start3A_2 = arith.constant 0 : i32
    %dma_start3A_3 = tpu.memref_slice %arg5[%dma_start3A_1, %dma_start3A_2] : memref<8x128xi32, #tpu.memory_space<vmem>> -> memref<1x128xi32, #tpu.memory_space<vmem>>
    %dma_start3A_4 = tpu.memref_squeeze %dma_start3A_3 : memref<1x128xi32, #tpu.memory_space<vmem>> -> memref<128xi32, #tpu.memory_space<vmem>>
    %dma_start3A_5 = arith.constant 0 : i32
    %dma_start3A_6 = tpu.memref_slice %arg2[%add3A, %dma_start3A, %dma_start3A_5] : memref<16x8x128xi32, #tpu.memory_space<hbm>> -> memref<1x1x128xi32, #tpu.memory_space<hbm>>
    %dma_start3A_7 = tpu.memref_squeeze %dma_start3A_6 : memref<1x1x128xi32, #tpu.memory_space<hbm>> -> memref<128xi32, #tpu.memory_space<hbm>>
    %dma_start3A_8 = arith.constant 0 : i32
    %dma_start3A_9 = tpu.memref_slice %arg5[%dma_start3A_1, %dma_start3A_8] : memref<8x128xi32, #tpu.memory_space<vmem>> -> memref<1x128xi32, #tpu.memory_space<vmem>>
    %dma_start3A_10 = tpu.memref_squeeze %dma_start3A_9 : memref<1x128xi32, #tpu.memory_space<vmem>> -> memref<128xi32, #tpu.memory_space<vmem>>
    %dma_start3A_11 = arith.constant 0 : i32
    %dma_start3A_12 = tpu.memref_slice %arg2[%add3A, %dma_start3A, %dma_start3A_11] : memref<16x8x128xi32, #tpu.memory_space<hbm>> -> memref<1x1x128xi32, #tpu.memory_space<hbm>>
    %dma_start3A_13 = tpu.memref_squeeze %dma_start3A_12 : memref<1x1x128xi32, #tpu.memory_space<hbm>> -> memref<128xi32, #tpu.memory_space<hbm>>
    tpu.enqueue_dma source(%dma_start3A_13 : memref<128xi32, #tpu.memory_space<hbm>>) target(%dma_start3A_10 : memref<128xi32, #tpu.memory_space<vmem>>) target_semaphore(%arg7 : memref<!tpu.dma_semaphore, #tpu.memory_space<semaphore_mem>>)
    %dma_start3A_14 = arith.constant 1 : i32
    %dma_start3A_15 = arith.constant 1 : i32
    %dma_start3A_16 = arith.constant 0 : i32
    %dma_start3A_17 = tpu.memref_slice %arg5[%dma_start3A_15, %dma_start3A_16] : memref<8x128xi32, #tpu.memory_space<vmem>> -> memref<1x128xi32, #tpu.memory_space<vmem>>
    %dma_start3A_18 = tpu.memref_squeeze %dma_start3A_17 : memref<1x128xi32, #tpu.memory_space<vmem>> -> memref<128xi32, #tpu.memory_space<vmem>>
    %dma_start3A_19 = arith.constant 0 : i32
    %dma_start3A_20 = tpu.memref_slice %arg2[%add3A, %dma_start3A_14, %dma_start3A_19] : memref<16x8x128xi32, #tpu.memory_space<hbm>> -> memref<1x1x128xi32, #tpu.memory_space<hbm>>
    %dma_start3A_21 = tpu.memref_squeeze %dma_start3A_20 : memref<1x1x128xi32, #tpu.memory_space<hbm>> -> memref<128xi32, #tpu.memory_space<hbm>>
    %dma_start3A_22 = arith.constant 0 : i32
    %dma_start3A_23 = tpu.memref_slice %arg5[%dma_start3A_15, %dma_start3A_22] : memref<8x128xi32, #tpu.memory_space<vmem>> -> memref<1x128xi32, #tpu.memory_space<vmem>>
    %dma_start3A_24 = tpu.memref_squeeze %dma_start3A_23 : memref<1x128xi32, #tpu.memory_space<vmem>> -> memref<128xi32, #tpu.memory_space<vmem>>
    %dma_start3A_25 = arith.constant 0 : i32
    %dma_start3A_26 = tpu.memref_slice %arg2[%add3A, %dma_start3A_14, %dma_start3A_25] : memref<16x8x128xi32, #tpu.memory_space<hbm>> -> memref<1x1x128xi32, #tpu.memory_space<hbm>>
    %dma_start3A_27 = tpu.memref_squeeze %dma_start3A_26 : memref<1x1x128xi32, #tpu.memory_space<hbm>> -> memref<128xi32, #tpu.memory_space<hbm>>
    tpu.enqueue_dma source(%dma_start3A_27 : memref<128xi32, #tpu.memory_space<hbm>>) target(%dma_start3A_24 : memref<128xi32, #tpu.memory_space<vmem>>) target_semaphore(%arg7 : memref<!tpu.dma_semaphore, #tpu.memory_space<semaphore_mem>>)
    %dma_start3A_28 = arith.constant 2 : i32
    %dma_start3A_29 = arith.constant 2 : i32
    %dma_start3A_30 = arith.constant 0 : i32
    %dma_start3A_31 = tpu.memref_slice %arg5[%dma_start3A_29, %dma_start3A_30] : memref<8x128xi32, #tpu.memory_space<vmem>> -> memref<1x128xi32, #tpu.memory_space<vmem>>
    %dma_start3A_32 = tpu.memref_squeeze %dma_start3A_31 : memref<1x128xi32, #tpu.memory_space<vmem>> -> memref<128xi32, #tpu.memory_space<vmem>>
    %dma_start3A_33 = arith.constant 0 : i32
    %dma_start3A_34 = tpu.memref_slice %arg2[%add3A, %dma_start3A_28, %dma_start3A_33] : memref<16x8x128xi32, #tpu.memory_space<hbm>> -> memref<1x1x128xi32, #tpu.memory_space<hbm>>
    %dma_start3A_35 = tpu.memref_squeeze %dma_start3A_34 : memref<1x1x128xi32, #tpu.memory_space<hbm>> -> memref<128xi32, #tpu.memory_space<hbm>>
    %dma_start3A_36 = arith.constant 0 : i32
    %dma_start3A_37 = tpu.memref_slice %arg5[%dma_start3A_29, %dma_start3A_36] : memref<8x128xi32, #tpu.memory_space<vmem>> -> memref<1x128xi32, #tpu.memory_space<vmem>>
    %dma_start3A_38 = tpu.memref_squeeze %dma_start3A_37 : memref<1x128xi32, #tpu.memory_space<vmem>> -> memref<128xi32, #tpu.memory_space<vmem>>
    %dma_start3A_39 = arith.constant 0 : i32
    %dma_start3A_40 = tpu.memref_slice %arg2[%add3A, %dma_start3A_28, %dma_start3A_39] : memref<16x8x128xi32, #tpu.memory_space<hbm>> -> memref<1x1x128xi32, #tpu.memory_space<hbm>>
    %dma_start3A_41 = tpu.memref_squeeze %dma_start3A_40 : memref<1x1x128xi32, #tpu.memory_space<hbm>> -> memref<128xi32, #tpu.memory_space<hbm>>
    tpu.enqueue_dma source(%dma_start3A_41 : memref<128xi32, #tpu.memory_space<hbm>>) target(%dma_start3A_38 : memref<128xi32, #tpu.memory_space<vmem>>) target_semaphore(%arg7 : memref<!tpu.dma_semaphore, #tpu.memory_space<semaphore_mem>>)
    %dma_start3A_42 = arith.constant 3 : i32
    %dma_start3A_43 = arith.constant 3 : i32
    %dma_start3A_44 = arith.constant 0 : i32
    %dma_start3A_45 = tpu.memref_slice %arg5[%dma_start3A_43, %dma_start3A_44] : memref<8x128xi32, #tpu.memory_space<vmem>> -> memref<1x128xi32, #tpu.memory_space<vmem>>
    %dma_start3A_46 = tpu.memref_squeeze %dma_start3A_45 : memref<1x128xi32, #tpu.memory_space<vmem>> -> memref<128xi32, #tpu.memory_space<vmem>>
    %dma_start3A_47 = arith.constant 0 : i32
    %dma_start3A_48 = tpu.memref_slice %arg2[%add3A, %dma_start3A_42, %dma_start3A_47] : memref<16x8x128xi32, #tpu.memory_space<hbm>> -> memref<1x1x128xi32, #tpu.memory_space<hbm>>
    %dma_start3A_49 = tpu.memref_squeeze %dma_start3A_48 : memref<1x1x128xi32, #tpu.memory_space<hbm>> -> memref<128xi32, #tpu.memory_space<hbm>>
    %dma_start3A_50 = arith.constant 0 : i32
    %dma_start3A_51 = tpu.memref_slice %arg5[%dma_start3A_43, %dma_start3A_50] : memref<8x128xi32, #tpu.memory_space<vmem>> -> memref<1x128xi32, #tpu.memory_space<vmem>>
    %dma_start3A_52 = tpu.memref_squeeze %dma_start3A_51 : memref<1x128xi32, #tpu.memory_space<vmem>> -> memref<128xi32, #tpu.memory_space<vmem>>
    %dma_start3A_53 = arith.constant 0 : i32
    %dma_start3A_54 = tpu.memref_slice %arg2[%add3A, %dma_start3A_42, %dma_start3A_53] : memref<16x8x128xi32, #tpu.memory_space<hbm>> -> memref<1x1x128xi32, #tpu.memory_space<hbm>>
    %dma_start3A_55 = tpu.memref_squeeze %dma_start3A_54 : memref<1x1x128xi32, #tpu.memory_space<hbm>> -> memref<128xi32, #tpu.memory_space<hbm>>
    tpu.enqueue_dma source(%dma_start3A_55 : memref<128xi32, #tpu.memory_space<hbm>>) target(%dma_start3A_52 : memref<128xi32, #tpu.memory_space<vmem>>) target_semaphore(%arg7 : memref<!tpu.dma_semaphore, #tpu.memory_space<semaphore_mem>>)
    %dma_start3A_56 = arith.constant 4 : i32
    %dma_start3A_57 = arith.constant 4 : i32
    %dma_start3A_58 = arith.constant 0 : i32
    %dma_start3A_59 = tpu.memref_slice %arg5[%dma_start3A_57, %dma_start3A_58] : memref<8x128xi32, #tpu.memory_space<vmem>> -> memref<1x128xi32, #tpu.memory_space<vmem>>
    %dma_start3A_60 = tpu.memref_squeeze %dma_start3A_59 : memref<1x128xi32, #tpu.memory_space<vmem>> -> memref<128xi32, #tpu.memory_space<vmem>>
    %dma_start3A_61 = arith.constant 0 : i32
    %dma_start3A_62 = tpu.memref_slice %arg2[%add3A, %dma_start3A_56, %dma_start3A_61] : memref<16x8x128xi32, #tpu.memory_space<hbm>> -> memref<1x1x128xi32, #tpu.memory_space<hbm>>
    %dma_start3A_63 = tpu.memref_squeeze %dma_start3A_62 : memref<1x1x128xi32, #tpu.memory_space<hbm>> -> memref<128xi32, #tpu.memory_space<hbm>>
    %dma_start3A_64 = arith.constant 0 : i32
    %dma_start3A_65 = tpu.memref_slice %arg5[%dma_start3A_57, %dma_start3A_64] : memref<8x128xi32, #tpu.memory_space<vmem>> -> memref<1x128xi32, #tpu.memory_space<vmem>>
    %dma_start3A_66 = tpu.memref_squeeze %dma_start3A_65 : memref<1x128xi32, #tpu.memory_space<vmem>> -> memref<128xi32, #tpu.memory_space<vmem>>
    %dma_start3A_67 = arith.constant 0 : i32
    %dma_start3A_68 = tpu.memref_slice %arg2[%add3A, %dma_start3A_56, %dma_start3A_67] : memref<16x8x128xi32, #tpu.memory_space<hbm>> -> memref<1x1x128xi32, #tpu.memory_space<hbm>>
    %dma_start3A_69 = tpu.memref_squeeze %dma_start3A_68 : memref<1x1x128xi32, #tpu.memory_space<hbm>> -> memref<128xi32, #tpu.memory_space<hbm>>
    tpu.enqueue_dma source(%dma_start3A_69 : memref<128xi32, #tpu.memory_space<hbm>>) target(%dma_start3A_66 : memref<128xi32, #tpu.memory_space<vmem>>) target_semaphore(%arg7 : memref<!tpu.dma_semaphore, #tpu.memory_space<semaphore_mem>>)
    %dma_start3A_70 = arith.constant 5 : i32
    %dma_start3A_71 = arith.constant 5 : i32
    %dma_start3A_72 = arith.constant 0 : i32
    %dma_start3A_73 = tpu.memref_slice %arg5[%dma_start3A_71, %dma_start3A_72] : memref<8x128xi32, #tpu.memory_space<vmem>> -> memref<1x128xi32, #tpu.memory_space<vmem>>
    %dma_start3A_74 = tpu.memref_squeeze %dma_start3A_73 : memref<1x128xi32, #tpu.memory_space<vmem>> -> memref<128xi32, #tpu.memory_space<vmem>>
    %dma_start3A_75 = arith.constant 0 : i32
    %dma_start3A_76 = tpu.memref_slice %arg2[%add3A, %dma_start3A_70, %dma_start3A_75] : memref<16x8x128xi32, #tpu.memory_space<hbm>> -> memref<1x1x128xi32, #tpu.memory_space<hbm>>
    %dma_start3A_77 = tpu.memref_squeeze %dma_start3A_76 : memref<1x1x128xi32, #tpu.memory_space<hbm>> -> memref<128xi32, #tpu.memory_space<hbm>>
    %dma_start3A_78 = arith.constant 0 : i32
    %dma_start3A_79 = tpu.memref_slice %arg5[%dma_start3A_71, %dma_start3A_78] : memref<8x128xi32, #tpu.memory_space<vmem>> -> memref<1x128xi32, #tpu.memory_space<vmem>>
    %dma_start3A_80 = tpu.memref_squeeze %dma_start3A_79 : memref<1x128xi32, #tpu.memory_space<vmem>> -> memref<128xi32, #tpu.memory_space<vmem>>
    %dma_start3A_81 = arith.constant 0 : i32
    %dma_start3A_82 = tpu.memref_slice %arg2[%add3A, %dma_start3A_70, %dma_start3A_81] : memref<16x8x128xi32, #tpu.memory_space<hbm>> -> memref<1x1x128xi32, #tpu.memory_space<hbm>>
    %dma_start3A_83 = tpu.memref_squeeze %dma_start3A_82 : memref<1x1x128xi32, #tpu.memory_space<hbm>> -> memref<128xi32, #tpu.memory_space<hbm>>
    tpu.enqueue_dma source(%dma_start3A_83 : memref<128xi32, #tpu.memory_space<hbm>>) target(%dma_start3A_80 : memref<128xi32, #tpu.memory_space<vmem>>) target_semaphore(%arg7 : memref<!tpu.dma_semaphore, #tpu.memory_space<semaphore_mem>>)
    %dma_start3A_84 = arith.constant 6 : i32
    %dma_start3A_85 = arith.constant 6 : i32
    %dma_start3A_86 = arith.constant 0 : i32
    %dma_start3A_87 = tpu.memref_slice %arg5[%dma_start3A_85, %dma_start3A_86] : memref<8x128xi32, #tpu.memory_space<vmem>> -> memref<1x128xi32, #tpu.memory_space<vmem>>
    %dma_start3A_88 = tpu.memref_squeeze %dma_start3A_87 : memref<1x128xi32, #tpu.memory_space<vmem>> -> memref<128xi32, #tpu.memory_space<vmem>>
    %dma_start3A_89 = arith.constant 0 : i32
    %dma_start3A_90 = tpu.memref_slice %arg2[%add3A, %dma_start3A_84, %dma_start3A_89] : memref<16x8x128xi32, #tpu.memory_space<hbm>> -> memref<1x1x128xi32, #tpu.memory_space<hbm>>
    %dma_start3A_91 = tpu.memref_squeeze %dma_start3A_90 : memref<1x1x128xi32, #tpu.memory_space<hbm>> -> memref<128xi32, #tpu.memory_space<hbm>>
    %dma_start3A_92 = arith.constant 0 : i32
    %dma_start3A_93 = tpu.memref_slice %arg5[%dma_start3A_85, %dma_start3A_92] : memref<8x128xi32, #tpu.memory_space<vmem>> -> memref<1x128xi32, #tpu.memory_space<vmem>>
    %dma_start3A_94 = tpu.memref_squeeze %dma_start3A_93 : memref<1x128xi32, #tpu.memory_space<vmem>> -> memref<128xi32, #tpu.memory_space<vmem>>
    %dma_start3A_95 = arith.constant 0 : i32
    %dma_start3A_96 = tpu.memref_slice %arg2[%add3A, %dma_start3A_84, %dma_start3A_95] : memref<16x8x128xi32, #tpu.memory_space<hbm>> -> memref<1x1x128xi32, #tpu.memory_space<hbm>>
    %dma_start3A_97 = tpu.memref_squeeze %dma_start3A_96 : memref<1x1x128xi32, #tpu.memory_space<hbm>> -> memref<128xi32, #tpu.memory_space<hbm>>
    tpu.enqueue_dma source(%dma_start3A_97 : memref<128xi32, #tpu.memory_space<hbm>>) target(%dma_start3A_94 : memref<128xi32, #tpu.memory_space<vmem>>) target_semaphore(%arg7 : memref<!tpu.dma_semaphore, #tpu.memory_space<semaphore_mem>>)
    %dma_start3A_98 = arith.constant 7 : i32
    %dma_start3A_99 = arith.constant 7 : i32
    %dma_start3A_100 = arith.constant 0 : i32
    %dma_start3A_101 = tpu.memref_slice %arg5[%dma_start3A_99, %dma_start3A_100] : memref<8x128xi32, #tpu.memory_space<vmem>> -> memref<1x128xi32, #tpu.memory_space<vmem>>
    %dma_start3A_102 = tpu.memref_squeeze %dma_start3A_101 : memref<1x128xi32, #tpu.memory_space<vmem>> -> memref<128xi32, #tpu.memory_space<vmem>>
    %dma_start3A_103 = arith.constant 0 : i32
    %dma_start3A_104 = tpu.memref_slice %arg2[%add3A, %dma_start3A_98, %dma_start3A_103] : memref<16x8x128xi32, #tpu.memory_space<hbm>> -> memref<1x1x128xi32, #tpu.memory_space<hbm>>
    %dma_start3A_105 = tpu.memref_squeeze %dma_start3A_104 : memref<1x1x128xi32, #tpu.memory_space<hbm>> -> memref<128xi32, #tpu.memory_space<hbm>>
    %dma_start3A_106 = arith.constant 0 : i32
    %dma_start3A_107 = tpu.memref_slice %arg5[%dma_start3A_99, %dma_start3A_106] : memref<8x128xi32, #tpu.memory_space<vmem>> -> memref<1x128xi32, #tpu.memory_space<vmem>>
    %dma_start3A_108 = tpu.memref_squeeze %dma_start3A_107 : memref<1x128xi32, #tpu.memory_space<vmem>> -> memref<128xi32, #tpu.memory_space<vmem>>
    %dma_start3A_109 = arith.constant 0 : i32
    %dma_start3A_110 = tpu.memref_slice %arg2[%add3A, %dma_start3A_98, %dma_start3A_109] : memref<16x8x128xi32, #tpu.memory_space<hbm>> -> memref<1x1x128xi32, #tpu.memory_space<hbm>>
    %dma_start3A_111 = tpu.memref_squeeze %dma_start3A_110 : memref<1x1x128xi32, #tpu.memory_space<hbm>> -> memref<128xi32, #tpu.memory_space<hbm>>
    tpu.enqueue_dma source(%dma_start3A_111 : memref<128xi32, #tpu.memory_space<hbm>>) target(%dma_start3A_108 : memref<128xi32, #tpu.memory_space<vmem>>) target_semaphore(%arg7 : memref<!tpu.dma_semaphore, #tpu.memory_space<semaphore_mem>>)
    %dma_wait3A = arith.constant 0 : i32
    %dma_wait3A_112 = arith.constant 0 : i32
    %dma_wait3A_113 = arith.constant 0 : i32
    %dma_wait3A_114 = tpu.memref_slice %arg5[%dma_wait3A_112, %dma_wait3A_113] : memref<8x128xi32, #tpu.memory_space<vmem>> -> memref<1x128xi32, #tpu.memory_space<vmem>>
    %dma_wait3A_115 = tpu.memref_squeeze %dma_wait3A_114 : memref<1x128xi32, #tpu.memory_space<vmem>> -> memref<128xi32, #tpu.memory_space<vmem>>
    %dma_wait3A_116 = arith.constant 0 : i32
    %dma_wait3A_117 = tpu.memref_slice %arg2[%add3A, %dma_wait3A, %dma_wait3A_116] : memref<16x8x128xi32, #tpu.memory_space<hbm>> -> memref<1x1x128xi32, #tpu.memory_space<hbm>>
    %dma_wait3A_118 = tpu.memref_squeeze %dma_wait3A_117 : memref<1x1x128xi32, #tpu.memory_space<hbm>> -> memref<128xi32, #tpu.memory_space<hbm>>
    %dma_wait3A_119 = arith.constant 0 : i32
    %dma_wait3A_120 = tpu.memref_slice %arg5[%dma_wait3A_112, %dma_wait3A_119] : memref<8x128xi32, #tpu.memory_space<vmem>> -> memref<1x128xi32, #tpu.memory_space<vmem>>
    %dma_wait3A_121 = tpu.memref_squeeze %dma_wait3A_120 : memref<1x128xi32, #tpu.memory_space<vmem>> -> memref<128xi32, #tpu.memory_space<vmem>>
    %dma_wait3A_122 = arith.constant 0 : i32
    %dma_wait3A_123 = tpu.memref_slice %arg2[%add3A, %dma_wait3A, %dma_wait3A_122] : memref<16x8x128xi32, #tpu.memory_space<hbm>> -> memref<1x1x128xi32, #tpu.memory_space<hbm>>
    %dma_wait3A_124 = tpu.memref_squeeze %dma_wait3A_123 : memref<1x1x128xi32, #tpu.memory_space<hbm>> -> memref<128xi32, #tpu.memory_space<hbm>>
    tpu.wait_dma2 semaphore(%arg7 : memref<!tpu.dma_semaphore, #tpu.memory_space<semaphore_mem>>) src(%dma_wait3A_124 : memref<128xi32, #tpu.memory_space<hbm>>) dst(%dma_wait3A_121 : memref<128xi32, #tpu.memory_space<vmem>>)
    %dma_start3A_125 = arith.constant 0 : i32
    %dma_start3A_126 = arith.constant 0 : i32
    %dma_start3A_127 = arith.constant 0 : i32
    %dma_start3A_128 = tpu.memref_slice %arg6[%dma_start3A_126, %dma_start3A_127] : memref<8x128xf32, #tpu.memory_space<vmem>> -> memref<1x128xf32, #tpu.memory_space<vmem>>
    %dma_start3A_129 = tpu.memref_squeeze %dma_start3A_128 : memref<1x128xf32, #tpu.memory_space<vmem>> -> memref<128xf32, #tpu.memory_space<vmem>>
    %dma_start3A_130 = arith.constant 0 : i32
    %dma_start3A_131 = tpu.memref_slice %arg5[%dma_start3A_125, %dma_start3A_130] : memref<8x128xi32, #tpu.memory_space<vmem>> -> memref<1x128xi32, #tpu.memory_space<vmem>>
    %dma_start3A_132 = tpu.memref_squeeze %dma_start3A_131 : memref<1x128xi32, #tpu.memory_space<vmem>> -> memref<128xi32, #tpu.memory_space<vmem>>
    %dma_start3A_133 = arith.constant 0 : i32
    %dma_start3A_134 = tpu.memref_slice %arg3[%dma_start3A_133] : memref<1000000xf32, #tpu.memory_space<hbm>> -> memref<1000000xf32, #tpu.memory_space<hbm>>
    tpu.enqueue_indirect_dma source(%dma_start3A_134 : memref<1000000xf32, #tpu.memory_space<hbm>>) target(%dma_start3A_129 : memref<128xf32, #tpu.memory_space<vmem>>) offsets(%dma_start3A_132 : memref<128xi32, #tpu.memory_space<vmem>>) semaphore(%arg8 : memref<!tpu.dma_semaphore, #tpu.memory_space<semaphore_mem>>)
    %dma_wait3A_135 = arith.constant 1 : i32
    %dma_wait3A_136 = arith.constant 1 : i32
    %dma_wait3A_137 = arith.constant 0 : i32
    %dma_wait3A_138 = tpu.memref_slice %arg5[%dma_wait3A_136, %dma_wait3A_137] : memref<8x128xi32, #tpu.memory_space<vmem>> -> memref<1x128xi32, #tpu.memory_space<vmem>>
    %dma_wait3A_139 = tpu.memref_squeeze %dma_wait3A_138 : memref<1x128xi32, #tpu.memory_space<vmem>> -> memref<128xi32, #tpu.memory_space<vmem>>
    %dma_wait3A_140 = arith.constant 0 : i32
    %dma_wait3A_141 = tpu.memref_slice %arg2[%add3A, %dma_wait3A_135, %dma_wait3A_140] : memref<16x8x128xi32, #tpu.memory_space<hbm>> -> memref<1x1x128xi32, #tpu.memory_space<hbm>>
    %dma_wait3A_142 = tpu.memref_squeeze %dma_wait3A_141 : memref<1x1x128xi32, #tpu.memory_space<hbm>> -> memref<128xi32, #tpu.memory_space<hbm>>
    %dma_wait3A_143 = arith.constant 0 : i32
    %dma_wait3A_144 = tpu.memref_slice %arg5[%dma_wait3A_136, %dma_wait3A_143] : memref<8x128xi32, #tpu.memory_space<vmem>> -> memref<1x128xi32, #tpu.memory_space<vmem>>
    %dma_wait3A_145 = tpu.memref_squeeze %dma_wait3A_144 : memref<1x128xi32, #tpu.memory_space<vmem>> -> memref<128xi32, #tpu.memory_space<vmem>>
    %dma_wait3A_146 = arith.constant 0 : i32
    %dma_wait3A_147 = tpu.memref_slice %arg2[%add3A, %dma_wait3A_135, %dma_wait3A_146] : memref<16x8x128xi32, #tpu.memory_space<hbm>> -> memref<1x1x128xi32, #tpu.memory_space<hbm>>
    %dma_wait3A_148 = tpu.memref_squeeze %dma_wait3A_147 : memref<1x1x128xi32, #tpu.memory_space<hbm>> -> memref<128xi32, #tpu.memory_space<hbm>>
    tpu.wait_dma2 semaphore(%arg7 : memref<!tpu.dma_semaphore, #tpu.memory_space<semaphore_mem>>) src(%dma_wait3A_148 : memref<128xi32, #tpu.memory_space<hbm>>) dst(%dma_wait3A_145 : memref<128xi32, #tpu.memory_space<vmem>>)
    %dma_start3A_149 = arith.constant 1 : i32
    %dma_start3A_150 = arith.constant 1 : i32
    %dma_start3A_151 = arith.constant 0 : i32
    %dma_start3A_152 = tpu.memref_slice %arg6[%dma_start3A_150, %dma_start3A_151] : memref<8x128xf32, #tpu.memory_space<vmem>> -> memref<1x128xf32, #tpu.memory_space<vmem>>
    %dma_start3A_153 = tpu.memref_squeeze %dma_start3A_152 : memref<1x128xf32, #tpu.memory_space<vmem>> -> memref<128xf32, #tpu.memory_space<vmem>>
    %dma_start3A_154 = arith.constant 0 : i32
    %dma_start3A_155 = tpu.memref_slice %arg5[%dma_start3A_149, %dma_start3A_154] : memref<8x128xi32, #tpu.memory_space<vmem>> -> memref<1x128xi32, #tpu.memory_space<vmem>>
    %dma_start3A_156 = tpu.memref_squeeze %dma_start3A_155 : memref<1x128xi32, #tpu.memory_space<vmem>> -> memref<128xi32, #tpu.memory_space<vmem>>
    %dma_start3A_157 = arith.constant 0 : i32
    %dma_start3A_158 = tpu.memref_slice %arg3[%dma_start3A_157] : memref<1000000xf32, #tpu.memory_space<hbm>> -> memref<1000000xf32, #tpu.memory_space<hbm>>
    tpu.enqueue_indirect_dma source(%dma_start3A_158 : memref<1000000xf32, #tpu.memory_space<hbm>>) target(%dma_start3A_153 : memref<128xf32, #tpu.memory_space<vmem>>) offsets(%dma_start3A_156 : memref<128xi32, #tpu.memory_space<vmem>>) semaphore(%arg8 : memref<!tpu.dma_semaphore, #tpu.memory_space<semaphore_mem>>)
    %dma_wait3A_159 = arith.constant 2 : i32
    %dma_wait3A_160 = arith.constant 2 : i32
    %dma_wait3A_161 = arith.constant 0 : i32
    %dma_wait3A_162 = tpu.memref_slice %arg5[%dma_wait3A_160, %dma_wait3A_161] : memref<8x128xi32, #tpu.memory_space<vmem>> -> memref<1x128xi32, #tpu.memory_space<vmem>>
    %dma_wait3A_163 = tpu.memref_squeeze %dma_wait3A_162 : memref<1x128xi32, #tpu.memory_space<vmem>> -> memref<128xi32, #tpu.memory_space<vmem>>
    %dma_wait3A_164 = arith.constant 0 : i32
    %dma_wait3A_165 = tpu.memref_slice %arg2[%add3A, %dma_wait3A_159, %dma_wait3A_164] : memref<16x8x128xi32, #tpu.memory_space<hbm>> -> memref<1x1x128xi32, #tpu.memory_space<hbm>>
    %dma_wait3A_166 = tpu.memref_squeeze %dma_wait3A_165 : memref<1x1x128xi32, #tpu.memory_space<hbm>> -> memref<128xi32, #tpu.memory_space<hbm>>
    %dma_wait3A_167 = arith.constant 0 : i32
    %dma_wait3A_168 = tpu.memref_slice %arg5[%dma_wait3A_160, %dma_wait3A_167] : memref<8x128xi32, #tpu.memory_space<vmem>> -> memref<1x128xi32, #tpu.memory_space<vmem>>
    %dma_wait3A_169 = tpu.memref_squeeze %dma_wait3A_168 : memref<1x128xi32, #tpu.memory_space<vmem>> -> memref<128xi32, #tpu.memory_space<vmem>>
    %dma_wait3A_170 = arith.constant 0 : i32
    %dma_wait3A_171 = tpu.memref_slice %arg2[%add3A, %dma_wait3A_159, %dma_wait3A_170] : memref<16x8x128xi32, #tpu.memory_space<hbm>> -> memref<1x1x128xi32, #tpu.memory_space<hbm>>
    %dma_wait3A_172 = tpu.memref_squeeze %dma_wait3A_171 : memref<1x1x128xi32, #tpu.memory_space<hbm>> -> memref<128xi32, #tpu.memory_space<hbm>>
    tpu.wait_dma2 semaphore(%arg7 : memref<!tpu.dma_semaphore, #tpu.memory_space<semaphore_mem>>) src(%dma_wait3A_172 : memref<128xi32, #tpu.memory_space<hbm>>) dst(%dma_wait3A_169 : memref<128xi32, #tpu.memory_space<vmem>>)
    %dma_start3A_173 = arith.constant 2 : i32
    %dma_start3A_174 = arith.constant 2 : i32
    %dma_start3A_175 = arith.constant 0 : i32
    %dma_start3A_176 = tpu.memref_slice %arg6[%dma_start3A_174, %dma_start3A_175] : memref<8x128xf32, #tpu.memory_space<vmem>> -> memref<1x128xf32, #tpu.memory_space<vmem>>
    %dma_start3A_177 = tpu.memref_squeeze %dma_start3A_176 : memref<1x128xf32, #tpu.memory_space<vmem>> -> memref<128xf32, #tpu.memory_space<vmem>>
    %dma_start3A_178 = arith.constant 0 : i32
    %dma_start3A_179 = tpu.memref_slice %arg5[%dma_start3A_173, %dma_start3A_178] : memref<8x128xi32, #tpu.memory_space<vmem>> -> memref<1x128xi32, #tpu.memory_space<vmem>>
    %dma_start3A_180 = tpu.memref_squeeze %dma_start3A_179 : memref<1x128xi32, #tpu.memory_space<vmem>> -> memref<128xi32, #tpu.memory_space<vmem>>
    %dma_start3A_181 = arith.constant 0 : i32
    %dma_start3A_182 = tpu.memref_slice %arg3[%dma_start3A_181] : memref<1000000xf32, #tpu.memory_space<hbm>> -> memref<1000000xf32, #tpu.memory_space<hbm>>
    tpu.enqueue_indirect_dma source(%dma_start3A_182 : memref<1000000xf32, #tpu.memory_space<hbm>>) target(%dma_start3A_177 : memref<128xf32, #tpu.memory_space<vmem>>) offsets(%dma_start3A_180 : memref<128xi32, #tpu.memory_space<vmem>>) semaphore(%arg8 : memref<!tpu.dma_semaphore, #tpu.memory_space<semaphore_mem>>)
    %dma_wait3A_183 = arith.constant 3 : i32
    %dma_wait3A_184 = arith.constant 3 : i32
    %dma_wait3A_185 = arith.constant 0 : i32
    %dma_wait3A_186 = tpu.memref_slice %arg5[%dma_wait3A_184, %dma_wait3A_185] : memref<8x128xi32, #tpu.memory_space<vmem>> -> memref<1x128xi32, #tpu.memory_space<vmem>>
    %dma_wait3A_187 = tpu.memref_squeeze %dma_wait3A_186 : memref<1x128xi32, #tpu.memory_space<vmem>> -> memref<128xi32, #tpu.memory_space<vmem>>
    %dma_wait3A_188 = arith.constant 0 : i32
    %dma_wait3A_189 = tpu.memref_slice %arg2[%add3A, %dma_wait3A_183, %dma_wait3A_188] : memref<16x8x128xi32, #tpu.memory_space<hbm>> -> memref<1x1x128xi32, #tpu.memory_space<hbm>>
    %dma_wait3A_190 = tpu.memref_squeeze %dma_wait3A_189 : memref<1x1x128xi32, #tpu.memory_space<hbm>> -> memref<128xi32, #tpu.memory_space<hbm>>
    %dma_wait3A_191 = arith.constant 0 : i32
    %dma_wait3A_192 = tpu.memref_slice %arg5[%dma_wait3A_184, %dma_wait3A_191] : memref<8x128xi32, #tpu.memory_space<vmem>> -> memref<1x128xi32, #tpu.memory_space<vmem>>
    %dma_wait3A_193 = tpu.memref_squeeze %dma_wait3A_192 : memref<1x128xi32, #tpu.memory_space<vmem>> -> memref<128xi32, #tpu.memory_space<vmem>>
    %dma_wait3A_194 = arith.constant 0 : i32
    %dma_wait3A_195 = tpu.memref_slice %arg2[%add3A, %dma_wait3A_183, %dma_wait3A_194] : memref<16x8x128xi32, #tpu.memory_space<hbm>> -> memref<1x1x128xi32, #tpu.memory_space<hbm>>
    %dma_wait3A_196 = tpu.memref_squeeze %dma_wait3A_195 : memref<1x1x128xi32, #tpu.memory_space<hbm>> -> memref<128xi32, #tpu.memory_space<hbm>>
    tpu.wait_dma2 semaphore(%arg7 : memref<!tpu.dma_semaphore, #tpu.memory_space<semaphore_mem>>) src(%dma_wait3A_196 : memref<128xi32, #tpu.memory_space<hbm>>) dst(%dma_wait3A_193 : memref<128xi32, #tpu.memory_space<vmem>>)
    %dma_start3A_197 = arith.constant 3 : i32
    %dma_start3A_198 = arith.constant 3 : i32
    %dma_start3A_199 = arith.constant 0 : i32
    %dma_start3A_200 = tpu.memref_slice %arg6[%dma_start3A_198, %dma_start3A_199] : memref<8x128xf32, #tpu.memory_space<vmem>> -> memref<1x128xf32, #tpu.memory_space<vmem>>
    %dma_start3A_201 = tpu.memref_squeeze %dma_start3A_200 : memref<1x128xf32, #tpu.memory_space<vmem>> -> memref<128xf32, #tpu.memory_space<vmem>>
    %dma_start3A_202 = arith.constant 0 : i32
    %dma_start3A_203 = tpu.memref_slice %arg5[%dma_start3A_197, %dma_start3A_202] : memref<8x128xi32, #tpu.memory_space<vmem>> -> memref<1x128xi32, #tpu.memory_space<vmem>>
    %dma_start3A_204 = tpu.memref_squeeze %dma_start3A_203 : memref<1x128xi32, #tpu.memory_space<vmem>> -> memref<128xi32, #tpu.memory_space<vmem>>
    %dma_start3A_205 = arith.constant 0 : i32
    %dma_start3A_206 = tpu.memref_slice %arg3[%dma_start3A_205] : memref<1000000xf32, #tpu.memory_space<hbm>> -> memref<1000000xf32, #tpu.memory_space<hbm>>
    tpu.enqueue_indirect_dma source(%dma_start3A_206 : memref<1000000xf32, #tpu.memory_space<hbm>>) target(%dma_start3A_201 : memref<128xf32, #tpu.memory_space<vmem>>) offsets(%dma_start3A_204 : memref<128xi32, #tpu.memory_space<vmem>>) semaphore(%arg8 : memref<!tpu.dma_semaphore, #tpu.memory_space<semaphore_mem>>)
    %dma_wait3A_207 = arith.constant 4 : i32
    %dma_wait3A_208 = arith.constant 4 : i32
    %dma_wait3A_209 = arith.constant 0 : i32
    %dma_wait3A_210 = tpu.memref_slice %arg5[%dma_wait3A_208, %dma_wait3A_209] : memref<8x128xi32, #tpu.memory_space<vmem>> -> memref<1x128xi32, #tpu.memory_space<vmem>>
    %dma_wait3A_211 = tpu.memref_squeeze %dma_wait3A_210 : memref<1x128xi32, #tpu.memory_space<vmem>> -> memref<128xi32, #tpu.memory_space<vmem>>
    %dma_wait3A_212 = arith.constant 0 : i32
    %dma_wait3A_213 = tpu.memref_slice %arg2[%add3A, %dma_wait3A_207, %dma_wait3A_212] : memref<16x8x128xi32, #tpu.memory_space<hbm>> -> memref<1x1x128xi32, #tpu.memory_space<hbm>>
    %dma_wait3A_214 = tpu.memref_squeeze %dma_wait3A_213 : memref<1x1x128xi32, #tpu.memory_space<hbm>> -> memref<128xi32, #tpu.memory_space<hbm>>
    %dma_wait3A_215 = arith.constant 0 : i32
    %dma_wait3A_216 = tpu.memref_slice %arg5[%dma_wait3A_208, %dma_wait3A_215] : memref<8x128xi32, #tpu.memory_space<vmem>> -> memref<1x128xi32, #tpu.memory_space<vmem>>
    %dma_wait3A_217 = tpu.memref_squeeze %dma_wait3A_216 : memref<1x128xi32, #tpu.memory_space<vmem>> -> memref<128xi32, #tpu.memory_space<vmem>>
    %dma_wait3A_218 = arith.constant 0 : i32
    %dma_wait3A_219 = tpu.memref_slice %arg2[%add3A, %dma_wait3A_207, %dma_wait3A_218] : memref<16x8x128xi32, #tpu.memory_space<hbm>> -> memref<1x1x128xi32, #tpu.memory_space<hbm>>
    %dma_wait3A_220 = tpu.memref_squeeze %dma_wait3A_219 : memref<1x1x128xi32, #tpu.memory_space<hbm>> -> memref<128xi32, #tpu.memory_space<hbm>>
    tpu.wait_dma2 semaphore(%arg7 : memref<!tpu.dma_semaphore, #tpu.memory_space<semaphore_mem>>) src(%dma_wait3A_220 : memref<128xi32, #tpu.memory_space<hbm>>) dst(%dma_wait3A_217 : memref<128xi32, #tpu.memory_space<vmem>>)
    %dma_start3A_221 = arith.constant 4 : i32
    %dma_start3A_222 = arith.constant 4 : i32
    %dma_start3A_223 = arith.constant 0 : i32
    %dma_start3A_224 = tpu.memref_slice %arg6[%dma_start3A_222, %dma_start3A_223] : memref<8x128xf32, #tpu.memory_space<vmem>> -> memref<1x128xf32, #tpu.memory_space<vmem>>
    %dma_start3A_225 = tpu.memref_squeeze %dma_start3A_224 : memref<1x128xf32, #tpu.memory_space<vmem>> -> memref<128xf32, #tpu.memory_space<vmem>>
    %dma_start3A_226 = arith.constant 0 : i32
    %dma_start3A_227 = tpu.memref_slice %arg5[%dma_start3A_221, %dma_start3A_226] : memref<8x128xi32, #tpu.memory_space<vmem>> -> memref<1x128xi32, #tpu.memory_space<vmem>>
    %dma_start3A_228 = tpu.memref_squeeze %dma_start3A_227 : memref<1x128xi32, #tpu.memory_space<vmem>> -> memref<128xi32, #tpu.memory_space<vmem>>
    %dma_start3A_229 = arith.constant 0 : i32
    %dma_start3A_230 = tpu.memref_slice %arg3[%dma_start3A_229] : memref<1000000xf32, #tpu.memory_space<hbm>> -> memref<1000000xf32, #tpu.memory_space<hbm>>
    tpu.enqueue_indirect_dma source(%dma_start3A_230 : memref<1000000xf32, #tpu.memory_space<hbm>>) target(%dma_start3A_225 : memref<128xf32, #tpu.memory_space<vmem>>) offsets(%dma_start3A_228 : memref<128xi32, #tpu.memory_space<vmem>>) semaphore(%arg8 : memref<!tpu.dma_semaphore, #tpu.memory_space<semaphore_mem>>)
    %dma_wait3A_231 = arith.constant 5 : i32
    %dma_wait3A_232 = arith.constant 5 : i32
    %dma_wait3A_233 = arith.constant 0 : i32
    %dma_wait3A_234 = tpu.memref_slice %arg5[%dma_wait3A_232, %dma_wait3A_233] : memref<8x128xi32, #tpu.memory_space<vmem>> -> memref<1x128xi32, #tpu.memory_space<vmem>>
    %dma_wait3A_235 = tpu.memref_squeeze %dma_wait3A_234 : memref<1x128xi32, #tpu.memory_space<vmem>> -> memref<128xi32, #tpu.memory_space<vmem>>
    %dma_wait3A_236 = arith.constant 0 : i32
    %dma_wait3A_237 = tpu.memref_slice %arg2[%add3A, %dma_wait3A_231, %dma_wait3A_236] : memref<16x8x128xi32, #tpu.memory_space<hbm>> -> memref<1x1x128xi32, #tpu.memory_space<hbm>>
    %dma_wait3A_238 = tpu.memref_squeeze %dma_wait3A_237 : memref<1x1x128xi32, #tpu.memory_space<hbm>> -> memref<128xi32, #tpu.memory_space<hbm>>
    %dma_wait3A_239 = arith.constant 0 : i32
    %dma_wait3A_240 = tpu.memref_slice %arg5[%dma_wait3A_232, %dma_wait3A_239] : memref<8x128xi32, #tpu.memory_space<vmem>> -> memref<1x128xi32, #tpu.memory_space<vmem>>
    %dma_wait3A_241 = tpu.memref_squeeze %dma_wait3A_240 : memref<1x128xi32, #tpu.memory_space<vmem>> -> memref<128xi32, #tpu.memory_space<vmem>>
    %dma_wait3A_242 = arith.constant 0 : i32
    %dma_wait3A_243 = tpu.memref_slice %arg2[%add3A, %dma_wait3A_231, %dma_wait3A_242] : memref<16x8x128xi32, #tpu.memory_space<hbm>> -> memref<1x1x128xi32, #tpu.memory_space<hbm>>
    %dma_wait3A_244 = tpu.memref_squeeze %dma_wait3A_243 : memref<1x1x128xi32, #tpu.memory_space<hbm>> -> memref<128xi32, #tpu.memory_space<hbm>>
    tpu.wait_dma2 semaphore(%arg7 : memref<!tpu.dma_semaphore, #tpu.memory_space<semaphore_mem>>) src(%dma_wait3A_244 : memref<128xi32, #tpu.memory_space<hbm>>) dst(%dma_wait3A_241 : memref<128xi32, #tpu.memory_space<vmem>>)
    %dma_start3A_245 = arith.constant 5 : i32
    %dma_start3A_246 = arith.constant 5 : i32
    %dma_start3A_247 = arith.constant 0 : i32
    %dma_start3A_248 = tpu.memref_slice %arg6[%dma_start3A_246, %dma_start3A_247] : memref<8x128xf32, #tpu.memory_space<vmem>> -> memref<1x128xf32, #tpu.memory_space<vmem>>
    %dma_start3A_249 = tpu.memref_squeeze %dma_start3A_248 : memref<1x128xf32, #tpu.memory_space<vmem>> -> memref<128xf32, #tpu.memory_space<vmem>>
    %dma_start3A_250 = arith.constant 0 : i32
    %dma_start3A_251 = tpu.memref_slice %arg5[%dma_start3A_245, %dma_start3A_250] : memref<8x128xi32, #tpu.memory_space<vmem>> -> memref<1x128xi32, #tpu.memory_space<vmem>>
    %dma_start3A_252 = tpu.memref_squeeze %dma_start3A_251 : memref<1x128xi32, #tpu.memory_space<vmem>> -> memref<128xi32, #tpu.memory_space<vmem>>
    %dma_start3A_253 = arith.constant 0 : i32
    %dma_start3A_254 = tpu.memref_slice %arg3[%dma_start3A_253] : memref<1000000xf32, #tpu.memory_space<hbm>> -> memref<1000000xf32, #tpu.memory_space<hbm>>
    tpu.enqueue_indirect_dma source(%dma_start3A_254 : memref<1000000xf32, #tpu.memory_space<hbm>>) target(%dma_start3A_249 : memref<128xf32, #tpu.memory_space<vmem>>) offsets(%dma_start3A_252 : memref<128xi32, #tpu.memory_space<vmem>>) semaphore(%arg8 : memref<!tpu.dma_semaphore, #tpu.memory_space<semaphore_mem>>)
    %dma_wait3A_255 = arith.constant 6 : i32
    %dma_wait3A_256 = arith.constant 6 : i32
    %dma_wait3A_257 = arith.constant 0 : i32
    %dma_wait3A_258 = tpu.memref_slice %arg5[%dma_wait3A_256, %dma_wait3A_257] : memref<8x128xi32, #tpu.memory_space<vmem>> -> memref<1x128xi32, #tpu.memory_space<vmem>>
    %dma_wait3A_259 = tpu.memref_squeeze %dma_wait3A_258 : memref<1x128xi32, #tpu.memory_space<vmem>> -> memref<128xi32, #tpu.memory_space<vmem>>
    %dma_wait3A_260 = arith.constant 0 : i32
    %dma_wait3A_261 = tpu.memref_slice %arg2[%add3A, %dma_wait3A_255, %dma_wait3A_260] : memref<16x8x128xi32, #tpu.memory_space<hbm>> -> memref<1x1x128xi32, #tpu.memory_space<hbm>>
    %dma_wait3A_262 = tpu.memref_squeeze %dma_wait3A_261 : memref<1x1x128xi32, #tpu.memory_space<hbm>> -> memref<128xi32, #tpu.memory_space<hbm>>
    %dma_wait3A_263 = arith.constant 0 : i32
    %dma_wait3A_264 = tpu.memref_slice %arg5[%dma_wait3A_256, %dma_wait3A_263] : memref<8x128xi32, #tpu.memory_space<vmem>> -> memref<1x128xi32, #tpu.memory_space<vmem>>
    %dma_wait3A_265 = tpu.memref_squeeze %dma_wait3A_264 : memref<1x128xi32, #tpu.memory_space<vmem>> -> memref<128xi32, #tpu.memory_space<vmem>>
    %dma_wait3A_266 = arith.constant 0 : i32
    %dma_wait3A_267 = tpu.memref_slice %arg2[%add3A, %dma_wait3A_255, %dma_wait3A_266] : memref<16x8x128xi32, #tpu.memory_space<hbm>> -> memref<1x1x128xi32, #tpu.memory_space<hbm>>
    %dma_wait3A_268 = tpu.memref_squeeze %dma_wait3A_267 : memref<1x1x128xi32, #tpu.memory_space<hbm>> -> memref<128xi32, #tpu.memory_space<hbm>>
    tpu.wait_dma2 semaphore(%arg7 : memref<!tpu.dma_semaphore, #tpu.memory_space<semaphore_mem>>) src(%dma_wait3A_268 : memref<128xi32, #tpu.memory_space<hbm>>) dst(%dma_wait3A_265 : memref<128xi32, #tpu.memory_space<vmem>>)
    %dma_start3A_269 = arith.constant 6 : i32
    %dma_start3A_270 = arith.constant 6 : i32
    %dma_start3A_271 = arith.constant 0 : i32
    %dma_start3A_272 = tpu.memref_slice %arg6[%dma_start3A_270, %dma_start3A_271] : memref<8x128xf32, #tpu.memory_space<vmem>> -> memref<1x128xf32, #tpu.memory_space<vmem>>
    %dma_start3A_273 = tpu.memref_squeeze %dma_start3A_272 : memref<1x128xf32, #tpu.memory_space<vmem>> -> memref<128xf32, #tpu.memory_space<vmem>>
    %dma_start3A_274 = arith.constant 0 : i32
    %dma_start3A_275 = tpu.memref_slice %arg5[%dma_start3A_269, %dma_start3A_274] : memref<8x128xi32, #tpu.memory_space<vmem>> -> memref<1x128xi32, #tpu.memory_space<vmem>>
    %dma_start3A_276 = tpu.memref_squeeze %dma_start3A_275 : memref<1x128xi32, #tpu.memory_space<vmem>> -> memref<128xi32, #tpu.memory_space<vmem>>
    %dma_start3A_277 = arith.constant 0 : i32
    %dma_start3A_278 = tpu.memref_slice %arg3[%dma_start3A_277] : memref<1000000xf32, #tpu.memory_space<hbm>> -> memref<1000000xf32, #tpu.memory_space<hbm>>
    tpu.enqueue_indirect_dma source(%dma_start3A_278 : memref<1000000xf32, #tpu.memory_space<hbm>>) target(%dma_start3A_273 : memref<128xf32, #tpu.memory_space<vmem>>) offsets(%dma_start3A_276 : memref<128xi32, #tpu.memory_space<vmem>>) semaphore(%arg8 : memref<!tpu.dma_semaphore, #tpu.memory_space<semaphore_mem>>)
    %dma_wait3A_279 = arith.constant 7 : i32
    %dma_wait3A_280 = arith.constant 7 : i32
    %dma_wait3A_281 = arith.constant 0 : i32
    %dma_wait3A_282 = tpu.memref_slice %arg5[%dma_wait3A_280, %dma_wait3A_281] : memref<8x128xi32, #tpu.memory_space<vmem>> -> memref<1x128xi32, #tpu.memory_space<vmem>>
    %dma_wait3A_283 = tpu.memref_squeeze %dma_wait3A_282 : memref<1x128xi32, #tpu.memory_space<vmem>> -> memref<128xi32, #tpu.memory_space<vmem>>
    %dma_wait3A_284 = arith.constant 0 : i32
    %dma_wait3A_285 = tpu.memref_slice %arg2[%add3A, %dma_wait3A_279, %dma_wait3A_284] : memref<16x8x128xi32, #tpu.memory_space<hbm>> -> memref<1x1x128xi32, #tpu.memory_space<hbm>>
    %dma_wait3A_286 = tpu.memref_squeeze %dma_wait3A_285 : memref<1x1x128xi32, #tpu.memory_space<hbm>> -> memref<128xi32, #tpu.memory_space<hbm>>
    %dma_wait3A_287 = arith.constant 0 : i32
    %dma_wait3A_288 = tpu.memref_slice %arg5[%dma_wait3A_280, %dma_wait3A_287] : memref<8x128xi32, #tpu.memory_space<vmem>> -> memref<1x128xi32, #tpu.memory_space<vmem>>
    %dma_wait3A_289 = tpu.memref_squeeze %dma_wait3A_288 : memref<1x128xi32, #tpu.memory_space<vmem>> -> memref<128xi32, #tpu.memory_space<vmem>>
    %dma_wait3A_290 = arith.constant 0 : i32
    %dma_wait3A_291 = tpu.memref_slice %arg2[%add3A, %dma_wait3A_279, %dma_wait3A_290] : memref<16x8x128xi32, #tpu.memory_space<hbm>> -> memref<1x1x128xi32, #tpu.memory_space<hbm>>
    %dma_wait3A_292 = tpu.memref_squeeze %dma_wait3A_291 : memref<1x1x128xi32, #tpu.memory_space<hbm>> -> memref<128xi32, #tpu.memory_space<hbm>>
    tpu.wait_dma2 semaphore(%arg7 : memref<!tpu.dma_semaphore, #tpu.memory_space<semaphore_mem>>) src(%dma_wait3A_292 : memref<128xi32, #tpu.memory_space<hbm>>) dst(%dma_wait3A_289 : memref<128xi32, #tpu.memory_space<vmem>>)
    %dma_start3A_293 = arith.constant 7 : i32
    %dma_start3A_294 = arith.constant 7 : i32
    %dma_start3A_295 = arith.constant 0 : i32
    %dma_start3A_296 = tpu.memref_slice %arg6[%dma_start3A_294, %dma_start3A_295] : memref<8x128xf32, #tpu.memory_space<vmem>> -> memref<1x128xf32, #tpu.memory_space<vmem>>
    %dma_start3A_297 = tpu.memref_squeeze %dma_start3A_296 : memref<1x128xf32, #tpu.memory_space<vmem>> -> memref<128xf32, #tpu.memory_space<vmem>>
    %dma_start3A_298 = arith.constant 0 : i32
    %dma_start3A_299 = tpu.memref_slice %arg5[%dma_start3A_293, %dma_start3A_298] : memref<8x128xi32, #tpu.memory_space<vmem>> -> memref<1x128xi32, #tpu.memory_space<vmem>>
    %dma_start3A_300 = tpu.memref_squeeze %dma_start3A_299 : memref<1x128xi32, #tpu.memory_space<vmem>> -> memref<128xi32, #tpu.memory_space<vmem>>
    %dma_start3A_301 = arith.constant 0 : i32
    %dma_start3A_302 = tpu.memref_slice %arg3[%dma_start3A_301] : memref<1000000xf32, #tpu.memory_space<hbm>> -> memref<1000000xf32, #tpu.memory_space<hbm>>
    tpu.enqueue_indirect_dma source(%dma_start3A_302 : memref<1000000xf32, #tpu.memory_space<hbm>>) target(%dma_start3A_297 : memref<128xf32, #tpu.memory_space<vmem>>) offsets(%dma_start3A_300 : memref<128xi32, #tpu.memory_space<vmem>>) semaphore(%arg8 : memref<!tpu.dma_semaphore, #tpu.memory_space<semaphore_mem>>)
    %dma_wait3A_303 = arith.constant 0 : i32
    %dma_wait3A_304 = arith.constant 0 : i32
    %dma_wait3A_305 = arith.constant 0 : i32
    %dma_wait3A_306 = tpu.memref_slice %arg6[%dma_wait3A_304, %dma_wait3A_305] : memref<8x128xf32, #tpu.memory_space<vmem>> -> memref<1x128xf32, #tpu.memory_space<vmem>>
    %dma_wait3A_307 = tpu.memref_squeeze %dma_wait3A_306 : memref<1x128xf32, #tpu.memory_space<vmem>> -> memref<128xf32, #tpu.memory_space<vmem>>
    %dma_wait3A_308 = arith.constant 0 : i32
    %dma_wait3A_309 = tpu.memref_slice %arg5[%dma_wait3A_303, %dma_wait3A_308] : memref<8x128xi32, #tpu.memory_space<vmem>> -> memref<1x128xi32, #tpu.memory_space<vmem>>
    %dma_wait3A_310 = tpu.memref_squeeze %dma_wait3A_309 : memref<1x128xi32, #tpu.memory_space<vmem>> -> memref<128xi32, #tpu.memory_space<vmem>>
    %dma_wait3A_311 = arith.constant 0 : i32
    %dma_wait3A_312 = tpu.memref_slice %arg3[%dma_wait3A_311] : memref<1000000xf32, #tpu.memory_space<hbm>> -> memref<1000000xf32, #tpu.memory_space<hbm>>
    tpu.wait_indirect_dma semaphore(%arg8 : memref<!tpu.dma_semaphore, #tpu.memory_space<semaphore_mem>>) src(%dma_wait3A_312 : memref<1000000xf32, #tpu.memory_space<hbm>>) dst(%dma_wait3A_307 : memref<128xf32, #tpu.memory_space<vmem>>)
    %dma_wait3A_313 = arith.constant 1 : i32
    %dma_wait3A_314 = arith.constant 1 : i32
    %dma_wait3A_315 = arith.constant 0 : i32
    %dma_wait3A_316 = tpu.memref_slice %arg6[%dma_wait3A_314, %dma_wait3A_315] : memref<8x128xf32, #tpu.memory_space<vmem>> -> memref<1x128xf32, #tpu.memory_space<vmem>>
    %dma_wait3A_317 = tpu.memref_squeeze %dma_wait3A_316 : memref<1x128xf32, #tpu.memory_space<vmem>> -> memref<128xf32, #tpu.memory_space<vmem>>
    %dma_wait3A_318 = arith.constant 0 : i32
    %dma_wait3A_319 = tpu.memref_slice %arg5[%dma_wait3A_313, %dma_wait3A_318] : memref<8x128xi32, #tpu.memory_space<vmem>> -> memref<1x128xi32, #tpu.memory_space<vmem>>
    %dma_wait3A_320 = tpu.memref_squeeze %dma_wait3A_319 : memref<1x128xi32, #tpu.memory_space<vmem>> -> memref<128xi32, #tpu.memory_space<vmem>>
    %dma_wait3A_321 = arith.constant 0 : i32
    %dma_wait3A_322 = tpu.memref_slice %arg3[%dma_wait3A_321] : memref<1000000xf32, #tpu.memory_space<hbm>> -> memref<1000000xf32, #tpu.memory_space<hbm>>
    tpu.wait_indirect_dma semaphore(%arg8 : memref<!tpu.dma_semaphore, #tpu.memory_space<semaphore_mem>>) src(%dma_wait3A_322 : memref<1000000xf32, #tpu.memory_space<hbm>>) dst(%dma_wait3A_317 : memref<128xf32, #tpu.memory_space<vmem>>)
    %dma_wait3A_323 = arith.constant 2 : i32
    %dma_wait3A_324 = arith.constant 2 : i32
    %dma_wait3A_325 = arith.constant 0 : i32
    %dma_wait3A_326 = tpu.memref_slice %arg6[%dma_wait3A_324, %dma_wait3A_325] : memref<8x128xf32, #tpu.memory_space<vmem>> -> memref<1x128xf32, #tpu.memory_space<vmem>>
    %dma_wait3A_327 = tpu.memref_squeeze %dma_wait3A_326 : memref<1x128xf32, #tpu.memory_space<vmem>> -> memref<128xf32, #tpu.memory_space<vmem>>
    %dma_wait3A_328 = arith.constant 0 : i32
    %dma_wait3A_329 = tpu.memref_slice %arg5[%dma_wait3A_323, %dma_wait3A_328] : memref<8x128xi32, #tpu.memory_space<vmem>> -> memref<1x128xi32, #tpu.memory_space<vmem>>
    %dma_wait3A_330 = tpu.memref_squeeze %dma_wait3A_329 : memref<1x128xi32, #tpu.memory_space<vmem>> -> memref<128xi32, #tpu.memory_space<vmem>>
    %dma_wait3A_331 = arith.constant 0 : i32
    %dma_wait3A_332 = tpu.memref_slice %arg3[%dma_wait3A_331] : memref<1000000xf32, #tpu.memory_space<hbm>> -> memref<1000000xf32, #tpu.memory_space<hbm>>
    tpu.wait_indirect_dma semaphore(%arg8 : memref<!tpu.dma_semaphore, #tpu.memory_space<semaphore_mem>>) src(%dma_wait3A_332 : memref<1000000xf32, #tpu.memory_space<hbm>>) dst(%dma_wait3A_327 : memref<128xf32, #tpu.memory_space<vmem>>)
    %dma_wait3A_333 = arith.constant 3 : i32
    %dma_wait3A_334 = arith.constant 3 : i32
    %dma_wait3A_335 = arith.constant 0 : i32
    %dma_wait3A_336 = tpu.memref_slice %arg6[%dma_wait3A_334, %dma_wait3A_335] : memref<8x128xf32, #tpu.memory_space<vmem>> -> memref<1x128xf32, #tpu.memory_space<vmem>>
    %dma_wait3A_337 = tpu.memref_squeeze %dma_wait3A_336 : memref<1x128xf32, #tpu.memory_space<vmem>> -> memref<128xf32, #tpu.memory_space<vmem>>
    %dma_wait3A_338 = arith.constant 0 : i32
    %dma_wait3A_339 = tpu.memref_slice %arg5[%dma_wait3A_333, %dma_wait3A_338] : memref<8x128xi32, #tpu.memory_space<vmem>> -> memref<1x128xi32, #tpu.memory_space<vmem>>
    %dma_wait3A_340 = tpu.memref_squeeze %dma_wait3A_339 : memref<1x128xi32, #tpu.memory_space<vmem>> -> memref<128xi32, #tpu.memory_space<vmem>>
    %dma_wait3A_341 = arith.constant 0 : i32
    %dma_wait3A_342 = tpu.memref_slice %arg3[%dma_wait3A_341] : memref<1000000xf32, #tpu.memory_space<hbm>> -> memref<1000000xf32, #tpu.memory_space<hbm>>
    tpu.wait_indirect_dma semaphore(%arg8 : memref<!tpu.dma_semaphore, #tpu.memory_space<semaphore_mem>>) src(%dma_wait3A_342 : memref<1000000xf32, #tpu.memory_space<hbm>>) dst(%dma_wait3A_337 : memref<128xf32, #tpu.memory_space<vmem>>)
    %dma_wait3A_343 = arith.constant 4 : i32
    %dma_wait3A_344 = arith.constant 4 : i32
    %dma_wait3A_345 = arith.constant 0 : i32
    %dma_wait3A_346 = tpu.memref_slice %arg6[%dma_wait3A_344, %dma_wait3A_345] : memref<8x128xf32, #tpu.memory_space<vmem>> -> memref<1x128xf32, #tpu.memory_space<vmem>>
    %dma_wait3A_347 = tpu.memref_squeeze %dma_wait3A_346 : memref<1x128xf32, #tpu.memory_space<vmem>> -> memref<128xf32, #tpu.memory_space<vmem>>
    %dma_wait3A_348 = arith.constant 0 : i32
    %dma_wait3A_349 = tpu.memref_slice %arg5[%dma_wait3A_343, %dma_wait3A_348] : memref<8x128xi32, #tpu.memory_space<vmem>> -> memref<1x128xi32, #tpu.memory_space<vmem>>
    %dma_wait3A_350 = tpu.memref_squeeze %dma_wait3A_349 : memref<1x128xi32, #tpu.memory_space<vmem>> -> memref<128xi32, #tpu.memory_space<vmem>>
    %dma_wait3A_351 = arith.constant 0 : i32
    %dma_wait3A_352 = tpu.memref_slice %arg3[%dma_wait3A_351] : memref<1000000xf32, #tpu.memory_space<hbm>> -> memref<1000000xf32, #tpu.memory_space<hbm>>
    tpu.wait_indirect_dma semaphore(%arg8 : memref<!tpu.dma_semaphore, #tpu.memory_space<semaphore_mem>>) src(%dma_wait3A_352 : memref<1000000xf32, #tpu.memory_space<hbm>>) dst(%dma_wait3A_347 : memref<128xf32, #tpu.memory_space<vmem>>)
    %dma_wait3A_353 = arith.constant 5 : i32
    %dma_wait3A_354 = arith.constant 5 : i32
    %dma_wait3A_355 = arith.constant 0 : i32
    %dma_wait3A_356 = tpu.memref_slice %arg6[%dma_wait3A_354, %dma_wait3A_355] : memref<8x128xf32, #tpu.memory_space<vmem>> -> memref<1x128xf32, #tpu.memory_space<vmem>>
    %dma_wait3A_357 = tpu.memref_squeeze %dma_wait3A_356 : memref<1x128xf32, #tpu.memory_space<vmem>> -> memref<128xf32, #tpu.memory_space<vmem>>
    %dma_wait3A_358 = arith.constant 0 : i32
    %dma_wait3A_359 = tpu.memref_slice %arg5[%dma_wait3A_353, %dma_wait3A_358] : memref<8x128xi32, #tpu.memory_space<vmem>> -> memref<1x128xi32, #tpu.memory_space<vmem>>
    %dma_wait3A_360 = tpu.memref_squeeze %dma_wait3A_359 : memref<1x128xi32, #tpu.memory_space<vmem>> -> memref<128xi32, #tpu.memory_space<vmem>>
    %dma_wait3A_361 = arith.constant 0 : i32
    %dma_wait3A_362 = tpu.memref_slice %arg3[%dma_wait3A_361] : memref<1000000xf32, #tpu.memory_space<hbm>> -> memref<1000000xf32, #tpu.memory_space<hbm>>
    tpu.wait_indirect_dma semaphore(%arg8 : memref<!tpu.dma_semaphore, #tpu.memory_space<semaphore_mem>>) src(%dma_wait3A_362 : memref<1000000xf32, #tpu.memory_space<hbm>>) dst(%dma_wait3A_357 : memref<128xf32, #tpu.memory_space<vmem>>)
    %dma_wait3A_363 = arith.constant 6 : i32
    %dma_wait3A_364 = arith.constant 6 : i32
    %dma_wait3A_365 = arith.constant 0 : i32
    %dma_wait3A_366 = tpu.memref_slice %arg6[%dma_wait3A_364, %dma_wait3A_365] : memref<8x128xf32, #tpu.memory_space<vmem>> -> memref<1x128xf32, #tpu.memory_space<vmem>>
    %dma_wait3A_367 = tpu.memref_squeeze %dma_wait3A_366 : memref<1x128xf32, #tpu.memory_space<vmem>> -> memref<128xf32, #tpu.memory_space<vmem>>
    %dma_wait3A_368 = arith.constant 0 : i32
    %dma_wait3A_369 = tpu.memref_slice %arg5[%dma_wait3A_363, %dma_wait3A_368] : memref<8x128xi32, #tpu.memory_space<vmem>> -> memref<1x128xi32, #tpu.memory_space<vmem>>
    %dma_wait3A_370 = tpu.memref_squeeze %dma_wait3A_369 : memref<1x128xi32, #tpu.memory_space<vmem>> -> memref<128xi32, #tpu.memory_space<vmem>>
    %dma_wait3A_371 = arith.constant 0 : i32
    %dma_wait3A_372 = tpu.memref_slice %arg3[%dma_wait3A_371] : memref<1000000xf32, #tpu.memory_space<hbm>> -> memref<1000000xf32, #tpu.memory_space<hbm>>
    tpu.wait_indirect_dma semaphore(%arg8 : memref<!tpu.dma_semaphore, #tpu.memory_space<semaphore_mem>>) src(%dma_wait3A_372 : memref<1000000xf32, #tpu.memory_space<hbm>>) dst(%dma_wait3A_367 : memref<128xf32, #tpu.memory_space<vmem>>)
    %dma_wait3A_373 = arith.constant 7 : i32
    %dma_wait3A_374 = arith.constant 7 : i32
    %dma_wait3A_375 = arith.constant 0 : i32
    %dma_wait3A_376 = tpu.memref_slice %arg6[%dma_wait3A_374, %dma_wait3A_375] : memref<8x128xf32, #tpu.memory_space<vmem>> -> memref<1x128xf32, #tpu.memory_space<vmem>>
    %dma_wait3A_377 = tpu.memref_squeeze %dma_wait3A_376 : memref<1x128xf32, #tpu.memory_space<vmem>> -> memref<128xf32, #tpu.memory_space<vmem>>
    %dma_wait3A_378 = arith.constant 0 : i32
    %dma_wait3A_379 = tpu.memref_slice %arg5[%dma_wait3A_373, %dma_wait3A_378] : memref<8x128xi32, #tpu.memory_space<vmem>> -> memref<1x128xi32, #tpu.memory_space<vmem>>
    %dma_wait3A_380 = tpu.memref_squeeze %dma_wait3A_379 : memref<1x128xi32, #tpu.memory_space<vmem>> -> memref<128xi32, #tpu.memory_space<vmem>>
    %dma_wait3A_381 = arith.constant 0 : i32
    %dma_wait3A_382 = tpu.memref_slice %arg3[%dma_wait3A_381] : memref<1000000xf32, #tpu.memory_space<hbm>> -> memref<1000000xf32, #tpu.memory_space<hbm>>
    tpu.wait_indirect_dma semaphore(%arg8 : memref<!tpu.dma_semaphore, #tpu.memory_space<semaphore_mem>>) src(%dma_wait3A_382 : memref<1000000xf32, #tpu.memory_space<hbm>>) dst(%dma_wait3A_377 : memref<128xf32, #tpu.memory_space<vmem>>)
    %get3A = arith.constant 0 : i32
    %get3A_383 = arith.index_cast %get3A : i32 to index
    %get3A_384 = arith.constant 0 : index
    %get3A_385 = tpu.vector_load %arg6[%get3A_383, %get3A_384] {strides = array<i32>} : memref<8x128xf32, #tpu.memory_space<vmem>>, vector<1x16xf32>,
    %get3A_386 = vector.shape_cast %get3A_385 : vector<1x16xf32> to vector<16xf32>
    %sub3A = arith.constant 5.000000e-01 : f32
    %sub3A_387 = vector.broadcast %sub3A : f32 to vector<16xf32>
    %sub3A_388 = arith.subf %get3A_386, %sub3A_387 : vector<16xf32>
    %swap3A = arith.constant 0 : i32
    %swap3A_389 = arith.index_cast %swap3A : i32 to index
    %swap3A_390 = arith.constant 0 : index
    %swap3A_391 = tpu.vector_load %arg6[%swap3A_389, %swap3A_390] {strides = array<i32>} : memref<8x128xf32, #tpu.memory_space<vmem>>, vector<1x16xf32>,
    %swap3A_392 = vector.shape_cast %swap3A_391 : vector<1x16xf32> to vector<16xf32>
    %swap3A_393 = vector.shape_cast %sub3A_388 : vector<16xf32> to vector<1x16xf32>
    tpu.vector_store %arg6[%swap3A_389, %swap3A_390], %swap3A_393 {strides = array<i32>} : memref<8x128xf32, #tpu.memory_space<vmem>>, vector<1x16xf32>,
    %get3A_394 = arith.constant 0 : i32
    %get3A_395 = arith.index_cast %get3A_394 : i32 to index
    %get3A_396 = arith.constant 16 : index
    %get3A_397 = tpu.vector_load %arg6[%get3A_395, %get3A_396] {strides = array<i32>} : memref<8x128xf32, #tpu.memory_space<vmem>>, vector<1x16xf32>,
    %get3A_398 = vector.shape_cast %get3A_397 : vector<1x16xf32> to vector<16xf32>
    %sub3A_399 = arith.constant 5.000000e-01 : f32
    %sub3A_400 = vector.broadcast %sub3A_399 : f32 to vector<16xf32>
    %sub3A_401 = arith.subf %get3A_398, %sub3A_400 : vector<16xf32>
    %swap3A_402 = arith.constant 0 : i32
    %swap3A_403 = arith.index_cast %swap3A_402 : i32 to index
    %swap3A_404 = arith.constant 16 : index
    %swap3A_405 = tpu.vector_load %arg6[%swap3A_403, %swap3A_404] {strides = array<i32>} : memref<8x128xf32, #tpu.memory_space<vmem>>, vector<1x16xf32>,
    %swap3A_406 = vector.shape_cast %swap3A_405 : vector<1x16xf32> to vector<16xf32>
    %swap3A_407 = vector.shape_cast %sub3A_401 : vector<16xf32> to vector<1x16xf32>
    tpu.vector_store %arg6[%swap3A_403, %swap3A_404], %swap3A_407 {strides = array<i32>} : memref<8x128xf32, #tpu.memory_space<vmem>>, vector<1x16xf32>,
    %get3A_408 = arith.constant 0 : i32
    %get3A_409 = arith.index_cast %get3A_408 : i32 to index
    %get3A_410 = arith.constant 32 : index
    %get3A_411 = tpu.vector_load %arg6[%get3A_409, %get3A_410] {strides = array<i32>} : memref<8x128xf32, #tpu.memory_space<vmem>>, vector<1x16xf32>,
    %get3A_412 = vector.shape_cast %get3A_411 : vector<1x16xf32> to vector<16xf32>
    %sub3A_413 = arith.constant 5.000000e-01 : f32
    %sub3A_414 = vector.broadcast %sub3A_413 : f32 to vector<16xf32>
    %sub3A_415 = arith.subf %get3A_412, %sub3A_414 : vector<16xf32>
    %swap3A_416 = arith.constant 0 : i32
    %swap3A_417 = arith.index_cast %swap3A_416 : i32 to index
    %swap3A_418 = arith.constant 32 : index
    %swap3A_419 = tpu.vector_load %arg6[%swap3A_417, %swap3A_418] {strides = array<i32>} : memref<8x128xf32, #tpu.memory_space<vmem>>, vector<1x16xf32>,
    %swap3A_420 = vector.shape_cast %swap3A_419 : vector<1x16xf32> to vector<16xf32>
    %swap3A_421 = vector.shape_cast %sub3A_415 : vector<16xf32> to vector<1x16xf32>
    tpu.vector_store %arg6[%swap3A_417, %swap3A_418], %swap3A_421 {strides = array<i32>} : memref<8x128xf32, #tpu.memory_space<vmem>>, vector<1x16xf32>,
    %get3A_422 = arith.constant 0 : i32
    %get3A_423 = arith.index_cast %get3A_422 : i32 to index
    %get3A_424 = arith.constant 48 : index
    %get3A_425 = tpu.vector_load %arg6[%get3A_423, %get3A_424] {strides = array<i32>} : memref<8x128xf32, #tpu.memory_space<vmem>>, vector<1x16xf32>,
    %get3A_426 = vector.shape_cast %get3A_425 : vector<1x16xf32> to vector<16xf32>
    %sub3A_427 = arith.constant 5.000000e-01 : f32
    %sub3A_428 = vector.broadcast %sub3A_427 : f32 to vector<16xf32>
    %sub3A_429 = arith.subf %get3A_426, %sub3A_428 : vector<16xf32>
    %swap3A_430 = arith.constant 0 : i32
    %swap3A_431 = arith.index_cast %swap3A_430 : i32 to index
    %swap3A_432 = arith.constant 48 : index
    %swap3A_433 = tpu.vector_load %arg6[%swap3A_431, %swap3A_432] {strides = array<i32>} : memref<8x128xf32, #tpu.memory_space<vmem>>, vector<1x16xf32>,
    %swap3A_434 = vector.shape_cast %swap3A_433 : vector<1x16xf32> to vector<16xf32>
    %swap3A_435 = vector.shape_cast %sub3A_429 : vector<16xf32> to vector<1x16xf32>
    tpu.vector_store %arg6[%swap3A_431, %swap3A_432], %swap3A_435 {strides = array<i32>} : memref<8x128xf32, #tpu.memory_space<vmem>>, vector<1x16xf32>,
    %get3A_436 = arith.constant 0 : i32
    %get3A_437 = arith.index_cast %get3A_436 : i32 to index
    %get3A_438 = arith.constant 64 : index
    %get3A_439 = tpu.vector_load %arg6[%get3A_437, %get3A_438] {strides = array<i32>} : memref<8x128xf32, #tpu.memory_space<vmem>>, vector<1x16xf32>,
    %get3A_440 = vector.shape_cast %get3A_439 : vector<1x16xf32> to vector<16xf32>
    %sub3A_441 = arith.constant 5.000000e-01 : f32
    %sub3A_442 = vector.broadcast %sub3A_441 : f32 to vector<16xf32>
    %sub3A_443 = arith.subf %get3A_440, %sub3A_442 : vector<16xf32>
    %swap3A_444 = arith.constant 0 : i32
    %swap3A_445 = arith.index_cast %swap3A_444 : i32 to index
    %swap3A_446 = arith.constant 64 : index
    %swap3A_447 = tpu.vector_load %arg6[%swap3A_445, %swap3A_446] {strides = array<i32>} : memref<8x128xf32, #tpu.memory_space<vmem>>, vector<1x16xf32>,
    %swap3A_448 = vector.shape_cast %swap3A_447 : vector<1x16xf32> to vector<16xf32>
    %swap3A_449 = vector.shape_cast %sub3A_443 : vector<16xf32> to vector<1x16xf32>
    tpu.vector_store %arg6[%swap3A_445, %swap3A_446], %swap3A_449 {strides = array<i32>} : memref<8x128xf32, #tpu.memory_space<vmem>>, vector<1x16xf32>,
    %get3A_450 = arith.constant 0 : i32
    %get3A_451 = arith.index_cast %get3A_450 : i32 to index
    %get3A_452 = arith.constant 80 : index
    %get3A_453 = tpu.vector_load %arg6[%get3A_451, %get3A_452] {strides = array<i32>} : memref<8x128xf32, #tpu.memory_space<vmem>>, vector<1x16xf32>,
    %get3A_454 = vector.shape_cast %get3A_453 : vector<1x16xf32> to vector<16xf32>
    %sub3A_455 = arith.constant 5.000000e-01 : f32
    %sub3A_456 = vector.broadcast %sub3A_455 : f32 to vector<16xf32>
    %sub3A_457 = arith.subf %get3A_454, %sub3A_456 : vector<16xf32>
    %swap3A_458 = arith.constant 0 : i32
    %swap3A_459 = arith.index_cast %swap3A_458 : i32 to index
    %swap3A_460 = arith.constant 80 : index
    %swap3A_461 = tpu.vector_load %arg6[%swap3A_459, %swap3A_460] {strides = array<i32>} : memref<8x128xf32, #tpu.memory_space<vmem>>, vector<1x16xf32>,
    %swap3A_462 = vector.shape_cast %swap3A_461 : vector<1x16xf32> to vector<16xf32>
    %swap3A_463 = vector.shape_cast %sub3A_457 : vector<16xf32> to vector<1x16xf32>
    tpu.vector_store %arg6[%swap3A_459, %swap3A_460], %swap3A_463 {strides = array<i32>} : memref<8x128xf32, #tpu.memory_space<vmem>>, vector<1x16xf32>,
    %get3A_464 = arith.constant 0 : i32
    %get3A_465 = arith.index_cast %get3A_464 : i32 to index
    %get3A_466 = arith.constant 96 : index
    %get3A_467 = tpu.vector_load %arg6[%get3A_465, %get3A_466] {strides = array<i32>} : memref<8x128xf32, #tpu.memory_space<vmem>>, vector<1x16xf32>,
    %get3A_468 = vector.shape_cast %get3A_467 : vector<1x16xf32> to vector<16xf32>
    %sub3A_469 = arith.constant 5.000000e-01 : f32
    %sub3A_470 = vector.broadcast %sub3A_469 : f32 to vector<16xf32>
    %sub3A_471 = arith.subf %get3A_468, %sub3A_470 : vector<16xf32>
    %swap3A_472 = arith.constant 0 : i32
    %swap3A_473 = arith.index_cast %swap3A_472 : i32 to index
    %swap3A_474 = arith.constant 96 : index
    %swap3A_475 = tpu.vector_load %arg6[%swap3A_473, %swap3A_474] {strides = array<i32>} : memref<8x128xf32, #tpu.memory_space<vmem>>, vector<1x16xf32>,
    %swap3A_476 = vector.shape_cast %swap3A_475 : vector<1x16xf32> to vector<16xf32>
    %swap3A_477 = vector.shape_cast %sub3A_471 : vector<16xf32> to vector<1x16xf32>
    tpu.vector_store %arg6[%swap3A_473, %swap3A_474], %swap3A_477 {strides = array<i32>} : memref<8x128xf32, #tpu.memory_space<vmem>>, vector<1x16xf32>,
    %get3A_478 = arith.constant 0 : i32
    %get3A_479 = arith.index_cast %get3A_478 : i32 to index
    %get3A_480 = arith.constant 112 : index
    %get3A_481 = tpu.vector_load %arg6[%get3A_479, %get3A_480] {strides = array<i32>} : memref<8x128xf32, #tpu.memory_space<vmem>>, vector<1x16xf32>,
    %get3A_482 = vector.shape_cast %get3A_481 : vector<1x16xf32> to vector<16xf32>
    %sub3A_483 = arith.constant 5.000000e-01 : f32
    %sub3A_484 = vector.broadcast %sub3A_483 : f32 to vector<16xf32>
    %sub3A_485 = arith.subf %get3A_482, %sub3A_484 : vector<16xf32>
    %swap3A_486 = arith.constant 0 : i32
    %swap3A_487 = arith.index_cast %swap3A_486 : i32 to index
    %swap3A_488 = arith.constant 112 : index
    %swap3A_489 = tpu.vector_load %arg6[%swap3A_487, %swap3A_488] {strides = array<i32>} : memref<8x128xf32, #tpu.memory_space<vmem>>, vector<1x16xf32>,
    %swap3A_490 = vector.shape_cast %swap3A_489 : vector<1x16xf32> to vector<16xf32>
    %swap3A_491 = vector.shape_cast %sub3A_485 : vector<16xf32> to vector<1x16xf32>
    tpu.vector_store %arg6[%swap3A_487, %swap3A_488], %swap3A_491 {strides = array<i32>} : memref<8x128xf32, #tpu.memory_space<vmem>>, vector<1x16xf32>,
    %get3A_492 = arith.constant 1 : i32
    %get3A_493 = arith.index_cast %get3A_492 : i32 to index
    %get3A_494 = arith.constant 0 : index
    %get3A_495 = tpu.vector_load %arg6[%get3A_493, %get3A_494] {strides = array<i32>} : memref<8x128xf32, #tpu.memory_space<vmem>>, vector<1x16xf32>,
    %get3A_496 = vector.shape_cast %get3A_495 : vector<1x16xf32> to vector<16xf32>
    %sub3A_497 = arith.constant 5.000000e-01 : f32
    %sub3A_498 = vector.broadcast %sub3A_497 : f32 to vector<16xf32>
    %sub3A_499 = arith.subf %get3A_496, %sub3A_498 : vector<16xf32>
    %swap3A_500 = arith.constant 1 : i32
    %swap3A_501 = arith.index_cast %swap3A_500 : i32 to index
    %swap3A_502 = arith.constant 0 : index
    %swap3A_503 = tpu.vector_load %arg6[%swap3A_501, %swap3A_502] {strides = array<i32>} : memref<8x128xf32, #tpu.memory_space<vmem>>, vector<1x16xf32>,
    %swap3A_504 = vector.shape_cast %swap3A_503 : vector<1x16xf32> to vector<16xf32>
    %swap3A_505 = vector.shape_cast %sub3A_499 : vector<16xf32> to vector<1x16xf32>
    tpu.vector_store %arg6[%swap3A_501, %swap3A_502], %swap3A_505 {strides = array<i32>} : memref<8x128xf32, #tpu.memory_space<vmem>>, vector<1x16xf32>,
    %get3A_506 = arith.constant 1 : i32
    %get3A_507 = arith.index_cast %get3A_506 : i32 to index
    %get3A_508 = arith.constant 16 : index
    %get3A_509 = tpu.vector_load %arg6[%get3A_507, %get3A_508] {strides = array<i32>} : memref<8x128xf32, #tpu.memory_space<vmem>>, vector<1x16xf32>,
    %get3A_510 = vector.shape_cast %get3A_509 : vector<1x16xf32> to vector<16xf32>
    %sub3A_511 = arith.constant 5.000000e-01 : f32
    %sub3A_512 = vector.broadcast %sub3A_511 : f32 to vector<16xf32>
    %sub3A_513 = arith.subf %get3A_510, %sub3A_512 : vector<16xf32>
    %swap3A_514 = arith.constant 1 : i32
    %swap3A_515 = arith.index_cast %swap3A_514 : i32 to index
    %swap3A_516 = arith.constant 16 : index
    %swap3A_517 = tpu.vector_load %arg6[%swap3A_515, %swap3A_516] {strides = array<i32>} : memref<8x128xf32, #tpu.memory_space<vmem>>, vector<1x16xf32>,
    %swap3A_518 = vector.shape_cast %swap3A_517 : vector<1x16xf32> to vector<16xf32>
    %swap3A_519 = vector.shape_cast %sub3A_513 : vector<16xf32> to vector<1x16xf32>
    tpu.vector_store %arg6[%swap3A_515, %swap3A_516], %swap3A_519 {strides = array<i32>} : memref<8x128xf32, #tpu.memory_space<vmem>>, vector<1x16xf32>,
    %get3A_520 = arith.constant 1 : i32
    %get3A_521 = arith.index_cast %get3A_520 : i32 to index
    %get3A_522 = arith.constant 32 : index
    %get3A_523 = tpu.vector_load %arg6[%get3A_521, %get3A_522] {strides = array<i32>} : memref<8x128xf32, #tpu.memory_space<vmem>>, vector<1x16xf32>,
    %get3A_524 = vector.shape_cast %get3A_523 : vector<1x16xf32> to vector<16xf32>
    %sub3A_525 = arith.constant 5.000000e-01 : f32
    %sub3A_526 = vector.broadcast %sub3A_525 : f32 to vector<16xf32>
    %sub3A_527 = arith.subf %get3A_524, %sub3A_526 : vector<16xf32>
    %swap3A_528 = arith.constant 1 : i32
    %swap3A_529 = arith.index_cast %swap3A_528 : i32 to index
    %swap3A_530 = arith.constant 32 : index
    %swap3A_531 = tpu.vector_load %arg6[%swap3A_529, %swap3A_530] {strides = array<i32>} : memref<8x128xf32, #tpu.memory_space<vmem>>, vector<1x16xf32>,
    %swap3A_532 = vector.shape_cast %swap3A_531 : vector<1x16xf32> to vector<16xf32>
    %swap3A_533 = vector.shape_cast %sub3A_527 : vector<16xf32> to vector<1x16xf32>
    tpu.vector_store %arg6[%swap3A_529, %swap3A_530], %swap3A_533 {strides = array<i32>} : memref<8x128xf32, #tpu.memory_space<vmem>>, vector<1x16xf32>,
    %get3A_534 = arith.constant 1 : i32
    %get3A_535 = arith.index_cast %get3A_534 : i32 to index
    %get3A_536 = arith.constant 48 : index
    %get3A_537 = tpu.vector_load %arg6[%get3A_535, %get3A_536] {strides = array<i32>} : memref<8x128xf32, #tpu.memory_space<vmem>>, vector<1x16xf32>,
    %get3A_538 = vector.shape_cast %get3A_537 : vector<1x16xf32> to vector<16xf32>
    %sub3A_539 = arith.constant 5.000000e-01 : f32
    %sub3A_540 = vector.broadcast %sub3A_539 : f32 to vector<16xf32>
    %sub3A_541 = arith.subf %get3A_538, %sub3A_540 : vector<16xf32>
    %swap3A_542 = arith.constant 1 : i32
    %swap3A_543 = arith.index_cast %swap3A_542 : i32 to index
    %swap3A_544 = arith.constant 48 : index
    %swap3A_545 = tpu.vector_load %arg6[%swap3A_543, %swap3A_544] {strides = array<i32>} : memref<8x128xf32, #tpu.memory_space<vmem>>, vector<1x16xf32>,
    %swap3A_546 = vector.shape_cast %swap3A_545 : vector<1x16xf32> to vector<16xf32>
    %swap3A_547 = vector.shape_cast %sub3A_541 : vector<16xf32> to vector<1x16xf32>
    tpu.vector_store %arg6[%swap3A_543, %swap3A_544], %swap3A_547 {strides = array<i32>} : memref<8x128xf32, #tpu.memory_space<vmem>>, vector<1x16xf32>,
    %get3A_548 = arith.constant 1 : i32
    %get3A_549 = arith.index_cast %get3A_548 : i32 to index
    %get3A_550 = arith.constant 64 : index
    %get3A_551 = tpu.vector_load %arg6[%get3A_549, %get3A_550] {strides = array<i32>} : memref<8x128xf32, #tpu.memory_space<vmem>>, vector<1x16xf32>,
    %get3A_552 = vector.shape_cast %get3A_551 : vector<1x16xf32> to vector<16xf32>
    %sub3A_553 = arith.constant 5.000000e-01 : f32
    %sub3A_554 = vector.broadcast %sub3A_553 : f32 to vector<16xf32>
    %sub3A_555 = arith.subf %get3A_552, %sub3A_554 : vector<16xf32>
    %swap3A_556 = arith.constant 1 : i32
    %swap3A_557 = arith.index_cast %swap3A_556 : i32 to index
    %swap3A_558 = arith.constant 64 : index
    %swap3A_559 = tpu.vector_load %arg6[%swap3A_557, %swap3A_558] {strides = array<i32>} : memref<8x128xf32, #tpu.memory_space<vmem>>, vector<1x16xf32>,
    %swap3A_560 = vector.shape_cast %swap3A_559 : vector<1x16xf32> to vector<16xf32>
    %swap3A_561 = vector.shape_cast %sub3A_555 : vector<16xf32> to vector<1x16xf32>
    tpu.vector_store %arg6[%swap3A_557, %swap3A_558], %swap3A_561 {strides = array<i32>} : memref<8x128xf32, #tpu.memory_space<vmem>>, vector<1x16xf32>,
    %get3A_562 = arith.constant 1 : i32
    %get3A_563 = arith.index_cast %get3A_562 : i32 to index
    %get3A_564 = arith.constant 80 : index
    %get3A_565 = tpu.vector_load %arg6[%get3A_563, %get3A_564] {strides = array<i32>} : memref<8x128xf32, #tpu.memory_space<vmem>>, vector<1x16xf32>,
    %get3A_566 = vector.shape_cast %get3A_565 : vector<1x16xf32> to vector<16xf32>
    %sub3A_567 = arith.constant 5.000000e-01 : f32
    %sub3A_568 = vector.broadcast %sub3A_567 : f32 to vector<16xf32>
    %sub3A_569 = arith.subf %get3A_566, %sub3A_568 : vector<16xf32>
    %swap3A_570 = arith.constant 1 : i32
    %swap3A_571 = arith.index_cast %swap3A_570 : i32 to index
    %swap3A_572 = arith.constant 80 : index
    %swap3A_573 = tpu.vector_load %arg6[%swap3A_571, %swap3A_572] {strides = array<i32>} : memref<8x128xf32, #tpu.memory_space<vmem>>, vector<1x16xf32>,
    %swap3A_574 = vector.shape_cast %swap3A_573 : vector<1x16xf32> to vector<16xf32>
    %swap3A_575 = vector.shape_cast %sub3A_569 : vector<16xf32> to vector<1x16xf32>
    tpu.vector_store %arg6[%swap3A_571, %swap3A_572], %swap3A_575 {strides = array<i32>} : memref<8x128xf32, #tpu.memory_space<vmem>>, vector<1x16xf32>,
    %get3A_576 = arith.constant 1 : i32
    %get3A_577 = arith.index_cast %get3A_576 : i32 to index
    %get3A_578 = arith.constant 96 : index
    %get3A_579 = tpu.vector_load %arg6[%get3A_577, %get3A_578] {strides = array<i32>} : memref<8x128xf32, #tpu.memory_space<vmem>>, vector<1x16xf32>,
    %get3A_580 = vector.shape_cast %get3A_579 : vector<1x16xf32> to vector<16xf32>
    %sub3A_581 = arith.constant 5.000000e-01 : f32
    %sub3A_582 = vector.broadcast %sub3A_581 : f32 to vector<16xf32>
    %sub3A_583 = arith.subf %get3A_580, %sub3A_582 : vector<16xf32>
    %swap3A_584 = arith.constant 1 : i32
    %swap3A_585 = arith.index_cast %swap3A_584 : i32 to index
    %swap3A_586 = arith.constant 96 : index
    %swap3A_587 = tpu.vector_load %arg6[%swap3A_585, %swap3A_586] {strides = array<i32>} : memref<8x128xf32, #tpu.memory_space<vmem>>, vector<1x16xf32>,
    %swap3A_588 = vector.shape_cast %swap3A_587 : vector<1x16xf32> to vector<16xf32>
    %swap3A_589 = vector.shape_cast %sub3A_583 : vector<16xf32> to vector<1x16xf32>
    tpu.vector_store %arg6[%swap3A_585, %swap3A_586], %swap3A_589 {strides = array<i32>} : memref<8x128xf32, #tpu.memory_space<vmem>>, vector<1x16xf32>,
    %get3A_590 = arith.constant 1 : i32
    %get3A_591 = arith.index_cast %get3A_590 : i32 to index
    %get3A_592 = arith.constant 112 : index
    %get3A_593 = tpu.vector_load %arg6[%get3A_591, %get3A_592] {strides = array<i32>} : memref<8x128xf32, #tpu.memory_space<vmem>>, vector<1x16xf32>,
    %get3A_594 = vector.shape_cast %get3A_593 : vector<1x16xf32> to vector<16xf32>
    %sub3A_595 = arith.constant 5.000000e-01 : f32
    %sub3A_596 = vector.broadcast %sub3A_595 : f32 to vector<16xf32>
    %sub3A_597 = arith.subf %get3A_594, %sub3A_596 : vector<16xf32>
    %swap3A_598 = arith.constant 1 : i32
    %swap3A_599 = arith.index_cast %swap3A_598 : i32 to index
    %swap3A_600 = arith.constant 112 : index
    %swap3A_601 = tpu.vector_load %arg6[%swap3A_599, %swap3A_600] {strides = array<i32>} : memref<8x128xf32, #tpu.memory_space<vmem>>, vector<1x16xf32>,
    %swap3A_602 = vector.shape_cast %swap3A_601 : vector<1x16xf32> to vector<16xf32>
    %swap3A_603 = vector.shape_cast %sub3A_597 : vector<16xf32> to vector<1x16xf32>
    tpu.vector_store %arg6[%swap3A_599, %swap3A_600], %swap3A_603 {strides = array<i32>} : memref<8x128xf32, #tpu.memory_space<vmem>>, vector<1x16xf32>,
    %get3A_604 = arith.constant 2 : i32
    %get3A_605 = arith.index_cast %get3A_604 : i32 to index
    %get3A_606 = arith.constant 0 : index
    %get3A_607 = tpu.vector_load %arg6[%get3A_605, %get3A_606] {strides = array<i32>} : memref<8x128xf32, #tpu.memory_space<vmem>>, vector<1x16xf32>,
    %get3A_608 = vector.shape_cast %get3A_607 : vector<1x16xf32> to vector<16xf32>
    %sub3A_609 = arith.constant 5.000000e-01 : f32
    %sub3A_610 = vector.broadcast %sub3A_609 : f32 to vector<16xf32>
    %sub3A_611 = arith.subf %get3A_608, %sub3A_610 : vector<16xf32>
    %swap3A_612 = arith.constant 2 : i32
    %swap3A_613 = arith.index_cast %swap3A_612 : i32 to index
    %swap3A_614 = arith.constant 0 : index
    %swap3A_615 = tpu.vector_load %arg6[%swap3A_613, %swap3A_614] {strides = array<i32>} : memref<8x128xf32, #tpu.memory_space<vmem>>, vector<1x16xf32>,
    %swap3A_616 = vector.shape_cast %swap3A_615 : vector<1x16xf32> to vector<16xf32>
    %swap3A_617 = vector.shape_cast %sub3A_611 : vector<16xf32> to vector<1x16xf32>
    tpu.vector_store %arg6[%swap3A_613, %swap3A_614], %swap3A_617 {strides = array<i32>} : memref<8x128xf32, #tpu.memory_space<vmem>>, vector<1x16xf32>,
    %get3A_618 = arith.constant 2 : i32
    %get3A_619 = arith.index_cast %get3A_618 : i32 to index
    %get3A_620 = arith.constant 16 : index
    %get3A_621 = tpu.vector_load %arg6[%get3A_619, %get3A_620] {strides = array<i32>} : memref<8x128xf32, #tpu.memory_space<vmem>>, vector<1x16xf32>,
    %get3A_622 = vector.shape_cast %get3A_621 : vector<1x16xf32> to vector<16xf32>
    %sub3A_623 = arith.constant 5.000000e-01 : f32
    %sub3A_624 = vector.broadcast %sub3A_623 : f32 to vector<16xf32>
    %sub3A_625 = arith.subf %get3A_622, %sub3A_624 : vector<16xf32>
    %swap3A_626 = arith.constant 2 : i32
    %swap3A_627 = arith.index_cast %swap3A_626 : i32 to index
    %swap3A_628 = arith.constant 16 : index
    %swap3A_629 = tpu.vector_load %arg6[%swap3A_627, %swap3A_628] {strides = array<i32>} : memref<8x128xf32, #tpu.memory_space<vmem>>, vector<1x16xf32>,
    %swap3A_630 = vector.shape_cast %swap3A_629 : vector<1x16xf32> to vector<16xf32>
    %swap3A_631 = vector.shape_cast %sub3A_625 : vector<16xf32> to vector<1x16xf32>
    tpu.vector_store %arg6[%swap3A_627, %swap3A_628], %swap3A_631 {strides = array<i32>} : memref<8x128xf32, #tpu.memory_space<vmem>>, vector<1x16xf32>,
    %get3A_632 = arith.constant 2 : i32
    %get3A_633 = arith.index_cast %get3A_632 : i32 to index
    %get3A_634 = arith.constant 32 : index
    %get3A_635 = tpu.vector_load %arg6[%get3A_633, %get3A_634] {strides = array<i32>} : memref<8x128xf32, #tpu.memory_space<vmem>>, vector<1x16xf32>,
    %get3A_636 = vector.shape_cast %get3A_635 : vector<1x16xf32> to vector<16xf32>
    %sub3A_637 = arith.constant 5.000000e-01 : f32
    %sub3A_638 = vector.broadcast %sub3A_637 : f32 to vector<16xf32>
    %sub3A_639 = arith.subf %get3A_636, %sub3A_638 : vector<16xf32>
    %swap3A_640 = arith.constant 2 : i32
    %swap3A_641 = arith.index_cast %swap3A_640 : i32 to index
    %swap3A_642 = arith.constant 32 : index
    %swap3A_643 = tpu.vector_load %arg6[%swap3A_641, %swap3A_642] {strides = array<i32>} : memref<8x128xf32, #tpu.memory_space<vmem>>, vector<1x16xf32>,
    %swap3A_644 = vector.shape_cast %swap3A_643 : vector<1x16xf32> to vector<16xf32>
    %swap3A_645 = vector.shape_cast %sub3A_639 : vector<16xf32> to vector<1x16xf32>
    tpu.vector_store %arg6[%swap3A_641, %swap3A_642], %swap3A_645 {strides = array<i32>} : memref<8x128xf32, #tpu.memory_space<vmem>>, vector<1x16xf32>,
    %get3A_646 = arith.constant 2 : i32
    %get3A_647 = arith.index_cast %get3A_646 : i32 to index
    %get3A_648 = arith.constant 48 : index
    %get3A_649 = tpu.vector_load %arg6[%get3A_647, %get3A_648] {strides = array<i32>} : memref<8x128xf32, #tpu.memory_space<vmem>>, vector<1x16xf32>,
    %get3A_650 = vector.shape_cast %get3A_649 : vector<1x16xf32> to vector<16xf32>
    %sub3A_651 = arith.constant 5.000000e-01 : f32
    %sub3A_652 = vector.broadcast %sub3A_651 : f32 to vector<16xf32>
    %sub3A_653 = arith.subf %get3A_650, %sub3A_652 : vector<16xf32>
    %swap3A_654 = arith.constant 2 : i32
    %swap3A_655 = arith.index_cast %swap3A_654 : i32 to index
    %swap3A_656 = arith.constant 48 : index
    %swap3A_657 = tpu.vector_load %arg6[%swap3A_655, %swap3A_656] {strides = array<i32>} : memref<8x128xf32, #tpu.memory_space<vmem>>, vector<1x16xf32>,
    %swap3A_658 = vector.shape_cast %swap3A_657 : vector<1x16xf32> to vector<16xf32>
    %swap3A_659 = vector.shape_cast %sub3A_653 : vector<16xf32> to vector<1x16xf32>
    tpu.vector_store %arg6[%swap3A_655, %swap3A_656], %swap3A_659 {strides = array<i32>} : memref<8x128xf32, #tpu.memory_space<vmem>>, vector<1x16xf32>,
    %get3A_660 = arith.constant 2 : i32
    %get3A_661 = arith.index_cast %get3A_660 : i32 to index
    %get3A_662 = arith.constant 64 : index
    %get3A_663 = tpu.vector_load %arg6[%get3A_661, %get3A_662] {strides = array<i32>} : memref<8x128xf32, #tpu.memory_space<vmem>>, vector<1x16xf32>,
    %get3A_664 = vector.shape_cast %get3A_663 : vector<1x16xf32> to vector<16xf32>
    %sub3A_665 = arith.constant 5.000000e-01 : f32
    %sub3A_666 = vector.broadcast %sub3A_665 : f32 to vector<16xf32>
    %sub3A_667 = arith.subf %get3A_664, %sub3A_666 : vector<16xf32>
    %swap3A_668 = arith.constant 2 : i32
    %swap3A_669 = arith.index_cast %swap3A_668 : i32 to index
    %swap3A_670 = arith.constant 64 : index
    %swap3A_671 = tpu.vector_load %arg6[%swap3A_669, %swap3A_670] {strides = array<i32>} : memref<8x128xf32, #tpu.memory_space<vmem>>, vector<1x16xf32>,
    %swap3A_672 = vector.shape_cast %swap3A_671 : vector<1x16xf32> to vector<16xf32>
    %swap3A_673 = vector.shape_cast %sub3A_667 : vector<16xf32> to vector<1x16xf32>
    tpu.vector_store %arg6[%swap3A_669, %swap3A_670], %swap3A_673 {strides = array<i32>} : memref<8x128xf32, #tpu.memory_space<vmem>>, vector<1x16xf32>,
    %get3A_674 = arith.constant 2 : i32
    %get3A_675 = arith.index_cast %get3A_674 : i32 to index
    %get3A_676 = arith.constant 80 : index
    %get3A_677 = tpu.vector_load %arg6[%get3A_675, %get3A_676] {strides = array<i32>} : memref<8x128xf32, #tpu.memory_space<vmem>>, vector<1x16xf32>,
    %get3A_678 = vector.shape_cast %get3A_677 : vector<1x16xf32> to vector<16xf32>
    %sub3A_679 = arith.constant 5.000000e-01 : f32
    %sub3A_680 = vector.broadcast %sub3A_679 : f32 to vector<16xf32>
    %sub3A_681 = arith.subf %get3A_678, %sub3A_680 : vector<16xf32>
    %swap3A_682 = arith.constant 2 : i32
    %swap3A_683 = arith.index_cast %swap3A_682 : i32 to index
    %swap3A_684 = arith.constant 80 : index
    %swap3A_685 = tpu.vector_load %arg6[%swap3A_683, %swap3A_684] {strides = array<i32>} : memref<8x128xf32, #tpu.memory_space<vmem>>, vector<1x16xf32>,
    %swap3A_686 = vector.shape_cast %swap3A_685 : vector<1x16xf32> to vector<16xf32>
    %swap3A_687 = vector.shape_cast %sub3A_681 : vector<16xf32> to vector<1x16xf32>
    tpu.vector_store %arg6[%swap3A_683, %swap3A_684], %swap3A_687 {strides = array<i32>} : memref<8x128xf32, #tpu.memory_space<vmem>>, vector<1x16xf32>,
    %get3A_688 = arith.constant 2 : i32
    %get3A_689 = arith.index_cast %get3A_688 : i32 to index
    %get3A_690 = arith.constant 96 : index
    %get3A_691 = tpu.vector_load %arg6[%get3A_689, %get3A_690] {strides = array<i32>} : memref<8x128xf32, #tpu.memory_space<vmem>>, vector<1x16xf32>,
    %get3A_692 = vector.shape_cast %get3A_691 : vector<1x16xf32> to vector<16xf32>
    %sub3A_693 = arith.constant 5.000000e-01 : f32
    %sub3A_694 = vector.broadcast %sub3A_693 : f32 to vector<16xf32>
    %sub3A_695 = arith.subf %get3A_692, %sub3A_694 : vector<16xf32>
    %swap3A_696 = arith.constant 2 : i32
    %swap3A_697 = arith.index_cast %swap3A_696 : i32 to index
    %swap3A_698 = arith.constant 96 : index
    %swap3A_699 = tpu.vector_load %arg6[%swap3A_697, %swap3A_698] {strides = array<i32>} : memref<8x128xf32, #tpu.memory_space<vmem>>, vector<1x16xf32>,
    %swap3A_700 = vector.shape_cast %swap3A_699 : vector<1x16xf32> to vector<16xf32>
    %swap3A_701 = vector.shape_cast %sub3A_695 : vector<16xf32> to vector<1x16xf32>
    tpu.vector_store %arg6[%swap3A_697, %swap3A_698], %swap3A_701 {strides = array<i32>} : memref<8x128xf32, #tpu.memory_space<vmem>>, vector<1x16xf32>,
    %get3A_702 = arith.constant 2 : i32
    %get3A_703 = arith.index_cast %get3A_702 : i32 to index
    %get3A_704 = arith.constant 112 : index
    %get3A_705 = tpu.vector_load %arg6[%get3A_703, %get3A_704] {strides = array<i32>} : memref<8x128xf32, #tpu.memory_space<vmem>>, vector<1x16xf32>,
    %get3A_706 = vector.shape_cast %get3A_705 : vector<1x16xf32> to vector<16xf32>
    %sub3A_707 = arith.constant 5.000000e-01 : f32
    %sub3A_708 = vector.broadcast %sub3A_707 : f32 to vector<16xf32>
    %sub3A_709 = arith.subf %get3A_706, %sub3A_708 : vector<16xf32>
    %swap3A_710 = arith.constant 2 : i32
    %swap3A_711 = arith.index_cast %swap3A_710 : i32 to index
    %swap3A_712 = arith.constant 112 : index
    %swap3A_713 = tpu.vector_load %arg6[%swap3A_711, %swap3A_712] {strides = array<i32>} : memref<8x128xf32, #tpu.memory_space<vmem>>, vector<1x16xf32>,
    %swap3A_714 = vector.shape_cast %swap3A_713 : vector<1x16xf32> to vector<16xf32>
    %swap3A_715 = vector.shape_cast %sub3A_709 : vector<16xf32> to vector<1x16xf32>
    tpu.vector_store %arg6[%swap3A_711, %swap3A_712], %swap3A_715 {strides = array<i32>} : memref<8x128xf32, #tpu.memory_space<vmem>>, vector<1x16xf32>,
    %get3A_716 = arith.constant 3 : i32
    %get3A_717 = arith.index_cast %get3A_716 : i32 to index
    %get3A_718 = arith.constant 0 : index
    %get3A_719 = tpu.vector_load %arg6[%get3A_717, %get3A_718] {strides = array<i32>} : memref<8x128xf32, #tpu.memory_space<vmem>>, vector<1x16xf32>,
    %get3A_720 = vector.shape_cast %get3A_719 : vector<1x16xf32> to vector<16xf32>
    %sub3A_721 = arith.constant 5.000000e-01 : f32
    %sub3A_722 = vector.broadcast %sub3A_721 : f32 to vector<16xf32>
    %sub3A_723 = arith.subf %get3A_720, %sub3A_722 : vector<16xf32>
    %swap3A_724 = arith.constant 3 : i32
    %swap3A_725 = arith.index_cast %swap3A_724 : i32 to index
    %swap3A_726 = arith.constant 0 : index
    %swap3A_727 = tpu.vector_load %arg6[%swap3A_725, %swap3A_726] {strides = array<i32>} : memref<8x128xf32, #tpu.memory_space<vmem>>, vector<1x16xf32>,
    %swap3A_728 = vector.shape_cast %swap3A_727 : vector<1x16xf32> to vector<16xf32>
    %swap3A_729 = vector.shape_cast %sub3A_723 : vector<16xf32> to vector<1x16xf32>
    tpu.vector_store %arg6[%swap3A_725, %swap3A_726], %swap3A_729 {strides = array<i32>} : memref<8x128xf32, #tpu.memory_space<vmem>>, vector<1x16xf32>,
    %get3A_730 = arith.constant 3 : i32
    %get3A_731 = arith.index_cast %get3A_730 : i32 to index
    %get3A_732 = arith.constant 16 : index
    %get3A_733 = tpu.vector_load %arg6[%get3A_731, %get3A_732] {strides = array<i32>} : memref<8x128xf32, #tpu.memory_space<vmem>>, vector<1x16xf32>,
    %get3A_734 = vector.shape_cast %get3A_733 : vector<1x16xf32> to vector<16xf32>
    %sub3A_735 = arith.constant 5.000000e-01 : f32
    %sub3A_736 = vector.broadcast %sub3A_735 : f32 to vector<16xf32>
    %sub3A_737 = arith.subf %get3A_734, %sub3A_736 : vector<16xf32>
    %swap3A_738 = arith.constant 3 : i32
    %swap3A_739 = arith.index_cast %swap3A_738 : i32 to index
    %swap3A_740 = arith.constant 16 : index
    %swap3A_741 = tpu.vector_load %arg6[%swap3A_739, %swap3A_740] {strides = array<i32>} : memref<8x128xf32, #tpu.memory_space<vmem>>, vector<1x16xf32>,
    %swap3A_742 = vector.shape_cast %swap3A_741 : vector<1x16xf32> to vector<16xf32>
    %swap3A_743 = vector.shape_cast %sub3A_737 : vector<16xf32> to vector<1x16xf32>
    tpu.vector_store %arg6[%swap3A_739, %swap3A_740], %swap3A_743 {strides = array<i32>} : memref<8x128xf32, #tpu.memory_space<vmem>>, vector<1x16xf32>,
    %get3A_744 = arith.constant 3 : i32
    %get3A_745 = arith.index_cast %get3A_744 : i32 to index
    %get3A_746 = arith.constant 32 : index
    %get3A_747 = tpu.vector_load %arg6[%get3A_745, %get3A_746] {strides = array<i32>} : memref<8x128xf32, #tpu.memory_space<vmem>>, vector<1x16xf32>,
    %get3A_748 = vector.shape_cast %get3A_747 : vector<1x16xf32> to vector<16xf32>
    %sub3A_749 = arith.constant 5.000000e-01 : f32
    %sub3A_750 = vector.broadcast %sub3A_749 : f32 to vector<16xf32>
    %sub3A_751 = arith.subf %get3A_748, %sub3A_750 : vector<16xf32>
    %swap3A_752 = arith.constant 3 : i32
    %swap3A_753 = arith.index_cast %swap3A_752 : i32 to index
    %swap3A_754 = arith.constant 32 : index
    %swap3A_755 = tpu.vector_load %arg6[%swap3A_753, %swap3A_754] {strides = array<i32>} : memref<8x128xf32, #tpu.memory_space<vmem>>, vector<1x16xf32>,
    %swap3A_756 = vector.shape_cast %swap3A_755 : vector<1x16xf32> to vector<16xf32>
    %swap3A_757 = vector.shape_cast %sub3A_751 : vector<16xf32> to vector<1x16xf32>
    tpu.vector_store %arg6[%swap3A_753, %swap3A_754], %swap3A_757 {strides = array<i32>} : memref<8x128xf32, #tpu.memory_space<vmem>>, vector<1x16xf32>,
    %get3A_758 = arith.constant 3 : i32
    %get3A_759 = arith.index_cast %get3A_758 : i32 to index
    %get3A_760 = arith.constant 48 : index
    %get3A_761 = tpu.vector_load %arg6[%get3A_759, %get3A_760] {strides = array<i32>} : memref<8x128xf32, #tpu.memory_space<vmem>>, vector<1x16xf32>,
    %get3A_762 = vector.shape_cast %get3A_761 : vector<1x16xf32> to vector<16xf32>
    %sub3A_763 = arith.constant 5.000000e-01 : f32
    %sub3A_764 = vector.broadcast %sub3A_763 : f32 to vector<16xf32>
    %sub3A_765 = arith.subf %get3A_762, %sub3A_764 : vector<16xf32>
    %swap3A_766 = arith.constant 3 : i32
    %swap3A_767 = arith.index_cast %swap3A_766 : i32 to index
    %swap3A_768 = arith.constant 48 : index
    %swap3A_769 = tpu.vector_load %arg6[%swap3A_767, %swap3A_768] {strides = array<i32>} : memref<8x128xf32, #tpu.memory_space<vmem>>, vector<1x16xf32>,
    %swap3A_770 = vector.shape_cast %swap3A_769 : vector<1x16xf32> to vector<16xf32>
    %swap3A_771 = vector.shape_cast %sub3A_765 : vector<16xf32> to vector<1x16xf32>
    tpu.vector_store %arg6[%swap3A_767, %swap3A_768], %swap3A_771 {strides = array<i32>} : memref<8x128xf32, #tpu.memory_space<vmem>>, vector<1x16xf32>,
    %get3A_772 = arith.constant 3 : i32
    %get3A_773 = arith.index_cast %get3A_772 : i32 to index
    %get3A_774 = arith.constant 64 : index
    %get3A_775 = tpu.vector_load %arg6[%get3A_773, %get3A_774] {strides = array<i32>} : memref<8x128xf32, #tpu.memory_space<vmem>>, vector<1x16xf32>,
    %get3A_776 = vector.shape_cast %get3A_775 : vector<1x16xf32> to vector<16xf32>
    %sub3A_777 = arith.constant 5.000000e-01 : f32
    %sub3A_778 = vector.broadcast %sub3A_777 : f32 to vector<16xf32>
    %sub3A_779 = arith.subf %get3A_776, %sub3A_778 : vector<16xf32>
    %swap3A_780 = arith.constant 3 : i32
    %swap3A_781 = arith.index_cast %swap3A_780 : i32 to index
    %swap3A_782 = arith.constant 64 : index
    %swap3A_783 = tpu.vector_load %arg6[%swap3A_781, %swap3A_782] {strides = array<i32>} : memref<8x128xf32, #tpu.memory_space<vmem>>, vector<1x16xf32>,
    %swap3A_784 = vector.shape_cast %swap3A_783 : vector<1x16xf32> to vector<16xf32>
    %swap3A_785 = vector.shape_cast %sub3A_779 : vector<16xf32> to vector<1x16xf32>
    tpu.vector_store %arg6[%swap3A_781, %swap3A_782], %swap3A_785 {strides = array<i32>} : memref<8x128xf32, #tpu.memory_space<vmem>>, vector<1x16xf32>,
    %get3A_786 = arith.constant 3 : i32
    %get3A_787 = arith.index_cast %get3A_786 : i32 to index
    %get3A_788 = arith.constant 80 : index
    %get3A_789 = tpu.vector_load %arg6[%get3A_787, %get3A_788] {strides = array<i32>} : memref<8x128xf32, #tpu.memory_space<vmem>>, vector<1x16xf32>,
    %get3A_790 = vector.shape_cast %get3A_789 : vector<1x16xf32> to vector<16xf32>
    %sub3A_791 = arith.constant 5.000000e-01 : f32
    %sub3A_792 = vector.broadcast %sub3A_791 : f32 to vector<16xf32>
    %sub3A_793 = arith.subf %get3A_790, %sub3A_792 : vector<16xf32>
    %swap3A_794 = arith.constant 3 : i32
    %swap3A_795 = arith.index_cast %swap3A_794 : i32 to index
    %swap3A_796 = arith.constant 80 : index
    %swap3A_797 = tpu.vector_load %arg6[%swap3A_795, %swap3A_796] {strides = array<i32>} : memref<8x128xf32, #tpu.memory_space<vmem>>, vector<1x16xf32>,
    %swap3A_798 = vector.shape_cast %swap3A_797 : vector<1x16xf32> to vector<16xf32>
    %swap3A_799 = vector.shape_cast %sub3A_793 : vector<16xf32> to vector<1x16xf32>
    tpu.vector_store %arg6[%swap3A_795, %swap3A_796], %swap3A_799 {strides = array<i32>} : memref<8x128xf32, #tpu.memory_space<vmem>>, vector<1x16xf32>,
    %get3A_800 = arith.constant 3 : i32
    %get3A_801 = arith.index_cast %get3A_800 : i32 to index
    %get3A_802 = arith.constant 96 : index
    %get3A_803 = tpu.vector_load %arg6[%get3A_801, %get3A_802] {strides = array<i32>} : memref<8x128xf32, #tpu.memory_space<vmem>>, vector<1x16xf32>,
    %get3A_804 = vector.shape_cast %get3A_803 : vector<1x16xf32> to vector<16xf32>
    %sub3A_805 = arith.constant 5.000000e-01 : f32
    %sub3A_806 = vector.broadcast %sub3A_805 : f32 to vector<16xf32>
    %sub3A_807 = arith.subf %get3A_804, %sub3A_806 : vector<16xf32>
    %swap3A_808 = arith.constant 3 : i32
    %swap3A_809 = arith.index_cast %swap3A_808 : i32 to index
    %swap3A_810 = arith.constant 96 : index
    %swap3A_811 = tpu.vector_load %arg6[%swap3A_809, %swap3A_810] {strides = array<i32>} : memref<8x128xf32, #tpu.memory_space<vmem>>, vector<1x16xf32>,
    %swap3A_812 = vector.shape_cast %swap3A_811 : vector<1x16xf32> to vector<16xf32>
    %swap3A_813 = vector.shape_cast %sub3A_807 : vector<16xf32> to vector<1x16xf32>
    tpu.vector_store %arg6[%swap3A_809, %swap3A_810], %swap3A_813 {strides = array<i32>} : memref<8x128xf32, #tpu.memory_space<vmem>>, vector<1x16xf32>,
    %get3A_814 = arith.constant 3 : i32
    %get3A_815 = arith.index_cast %get3A_814 : i32 to index
    %get3A_816 = arith.constant 112 : index
    %get3A_817 = tpu.vector_load %arg6[%get3A_815, %get3A_816] {strides = array<i32>} : memref<8x128xf32, #tpu.memory_space<vmem>>, vector<1x16xf32>,
    %get3A_818 = vector.shape_cast %get3A_817 : vector<1x16xf32> to vector<16xf32>
    %sub3A_819 = arith.constant 5.000000e-01 : f32
    %sub3A_820 = vector.broadcast %sub3A_819 : f32 to vector<16xf32>
    %sub3A_821 = arith.subf %get3A_818, %sub3A_820 : vector<16xf32>
    %swap3A_822 = arith.constant 3 : i32
    %swap3A_823 = arith.index_cast %swap3A_822 : i32 to index
    %swap3A_824 = arith.constant 112 : index
    %swap3A_825 = tpu.vector_load %arg6[%swap3A_823, %swap3A_824] {strides = array<i32>} : memref<8x128xf32, #tpu.memory_space<vmem>>, vector<1x16xf32>,
    %swap3A_826 = vector.shape_cast %swap3A_825 : vector<1x16xf32> to vector<16xf32>
    %swap3A_827 = vector.shape_cast %sub3A_821 : vector<16xf32> to vector<1x16xf32>
    tpu.vector_store %arg6[%swap3A_823, %swap3A_824], %swap3A_827 {strides = array<i32>} : memref<8x128xf32, #tpu.memory_space<vmem>>, vector<1x16xf32>,
    %get3A_828 = arith.constant 4 : i32
    %get3A_829 = arith.index_cast %get3A_828 : i32 to index
    %get3A_830 = arith.constant 0 : index
    %get3A_831 = tpu.vector_load %arg6[%get3A_829, %get3A_830] {strides = array<i32>} : memref<8x128xf32, #tpu.memory_space<vmem>>, vector<1x16xf32>,
    %get3A_832 = vector.shape_cast %get3A_831 : vector<1x16xf32> to vector<16xf32>
    %sub3A_833 = arith.constant 5.000000e-01 : f32
    %sub3A_834 = vector.broadcast %sub3A_833 : f32 to vector<16xf32>
    %sub3A_835 = arith.subf %get3A_832, %sub3A_834 : vector<16xf32>
    %swap3A_836 = arith.constant 4 : i32
    %swap3A_837 = arith.index_cast %swap3A_836 : i32 to index
    %swap3A_838 = arith.constant 0 : index
    %swap3A_839 = tpu.vector_load %arg6[%swap3A_837, %swap3A_838] {strides = array<i32>} : memref<8x128xf32, #tpu.memory_space<vmem>>, vector<1x16xf32>,
    %swap3A_840 = vector.shape_cast %swap3A_839 : vector<1x16xf32> to vector<16xf32>
    %swap3A_841 = vector.shape_cast %sub3A_835 : vector<16xf32> to vector<1x16xf32>
    tpu.vector_store %arg6[%swap3A_837, %swap3A_838], %swap3A_841 {strides = array<i32>} : memref<8x128xf32, #tpu.memory_space<vmem>>, vector<1x16xf32>,
    %get3A_842 = arith.constant 4 : i32
    %get3A_843 = arith.index_cast %get3A_842 : i32 to index
    %get3A_844 = arith.constant 16 : index
    %get3A_845 = tpu.vector_load %arg6[%get3A_843, %get3A_844] {strides = array<i32>} : memref<8x128xf32, #tpu.memory_space<vmem>>, vector<1x16xf32>,
    %get3A_846 = vector.shape_cast %get3A_845 : vector<1x16xf32> to vector<16xf32>
    %sub3A_847 = arith.constant 5.000000e-01 : f32
    %sub3A_848 = vector.broadcast %sub3A_847 : f32 to vector<16xf32>
    %sub3A_849 = arith.subf %get3A_846, %sub3A_848 : vector<16xf32>
    %swap3A_850 = arith.constant 4 : i32
    %swap3A_851 = arith.index_cast %swap3A_850 : i32 to index
    %swap3A_852 = arith.constant 16 : index
    %swap3A_853 = tpu.vector_load %arg6[%swap3A_851, %swap3A_852] {strides = array<i32>} : memref<8x128xf32, #tpu.memory_space<vmem>>, vector<1x16xf32>,
    %swap3A_854 = vector.shape_cast %swap3A_853 : vector<1x16xf32> to vector<16xf32>
    %swap3A_855 = vector.shape_cast %sub3A_849 : vector<16xf32> to vector<1x16xf32>
    tpu.vector_store %arg6[%swap3A_851, %swap3A_852], %swap3A_855 {strides = array<i32>} : memref<8x128xf32, #tpu.memory_space<vmem>>, vector<1x16xf32>,
    %get3A_856 = arith.constant 4 : i32
    %get3A_857 = arith.index_cast %get3A_856 : i32 to index
    %get3A_858 = arith.constant 32 : index
    %get3A_859 = tpu.vector_load %arg6[%get3A_857, %get3A_858] {strides = array<i32>} : memref<8x128xf32, #tpu.memory_space<vmem>>, vector<1x16xf32>,
    %get3A_860 = vector.shape_cast %get3A_859 : vector<1x16xf32> to vector<16xf32>
    %sub3A_861 = arith.constant 5.000000e-01 : f32
    %sub3A_862 = vector.broadcast %sub3A_861 : f32 to vector<16xf32>
    %sub3A_863 = arith.subf %get3A_860, %sub3A_862 : vector<16xf32>
    %swap3A_864 = arith.constant 4 : i32
    %swap3A_865 = arith.index_cast %swap3A_864 : i32 to index
    %swap3A_866 = arith.constant 32 : index
    %swap3A_867 = tpu.vector_load %arg6[%swap3A_865, %swap3A_866] {strides = array<i32>} : memref<8x128xf32, #tpu.memory_space<vmem>>, vector<1x16xf32>,
    %swap3A_868 = vector.shape_cast %swap3A_867 : vector<1x16xf32> to vector<16xf32>
    %swap3A_869 = vector.shape_cast %sub3A_863 : vector<16xf32> to vector<1x16xf32>
    tpu.vector_store %arg6[%swap3A_865, %swap3A_866], %swap3A_869 {strides = array<i32>} : memref<8x128xf32, #tpu.memory_space<vmem>>, vector<1x16xf32>,
    %get3A_870 = arith.constant 4 : i32
    %get3A_871 = arith.index_cast %get3A_870 : i32 to index
    %get3A_872 = arith.constant 48 : index
    %get3A_873 = tpu.vector_load %arg6[%get3A_871, %get3A_872] {strides = array<i32>} : memref<8x128xf32, #tpu.memory_space<vmem>>, vector<1x16xf32>,
    %get3A_874 = vector.shape_cast %get3A_873 : vector<1x16xf32> to vector<16xf32>
    %sub3A_875 = arith.constant 5.000000e-01 : f32
    %sub3A_876 = vector.broadcast %sub3A_875 : f32 to vector<16xf32>
    %sub3A_877 = arith.subf %get3A_874, %sub3A_876 : vector<16xf32>
    %swap3A_878 = arith.constant 4 : i32
    %swap3A_879 = arith.index_cast %swap3A_878 : i32 to index
    %swap3A_880 = arith.constant 48 : index
    %swap3A_881 = tpu.vector_load %arg6[%swap3A_879, %swap3A_880] {strides = array<i32>} : memref<8x128xf32, #tpu.memory_space<vmem>>, vector<1x16xf32>,
    %swap3A_882 = vector.shape_cast %swap3A_881 : vector<1x16xf32> to vector<16xf32>
    %swap3A_883 = vector.shape_cast %sub3A_877 : vector<16xf32> to vector<1x16xf32>
    tpu.vector_store %arg6[%swap3A_879, %swap3A_880], %swap3A_883 {strides = array<i32>} : memref<8x128xf32, #tpu.memory_space<vmem>>, vector<1x16xf32>,
    %get3A_884 = arith.constant 4 : i32
    %get3A_885 = arith.index_cast %get3A_884 : i32 to index
    %get3A_886 = arith.constant 64 : index
    %get3A_887 = tpu.vector_load %arg6[%get3A_885, %get3A_886] {strides = array<i32>} : memref<8x128xf32, #tpu.memory_space<vmem>>, vector<1x16xf32>,
    %get3A_888 = vector.shape_cast %get3A_887 : vector<1x16xf32> to vector<16xf32>
    %sub3A_889 = arith.constant 5.000000e-01 : f32
    %sub3A_890 = vector.broadcast %sub3A_889 : f32 to vector<16xf32>
    %sub3A_891 = arith.subf %get3A_888, %sub3A_890 : vector<16xf32>
    %swap3A_892 = arith.constant 4 : i32
    %swap3A_893 = arith.index_cast %swap3A_892 : i32 to index
    %swap3A_894 = arith.constant 64 : index
    %swap3A_895 = tpu.vector_load %arg6[%swap3A_893, %swap3A_894] {strides = array<i32>} : memref<8x128xf32, #tpu.memory_space<vmem>>, vector<1x16xf32>,
    %swap3A_896 = vector.shape_cast %swap3A_895 : vector<1x16xf32> to vector<16xf32>
    %swap3A_897 = vector.shape_cast %sub3A_891 : vector<16xf32> to vector<1x16xf32>
    tpu.vector_store %arg6[%swap3A_893, %swap3A_894], %swap3A_897 {strides = array<i32>} : memref<8x128xf32, #tpu.memory_space<vmem>>, vector<1x16xf32>,
    %get3A_898 = arith.constant 4 : i32
    %get3A_899 = arith.index_cast %get3A_898 : i32 to index
    %get3A_900 = arith.constant 80 : index
    %get3A_901 = tpu.vector_load %arg6[%get3A_899, %get3A_900] {strides = array<i32>} : memref<8x128xf32, #tpu.memory_space<vmem>>, vector<1x16xf32>,
    %get3A_902 = vector.shape_cast %get3A_901 : vector<1x16xf32> to vector<16xf32>
    %sub3A_903 = arith.constant 5.000000e-01 : f32
    %sub3A_904 = vector.broadcast %sub3A_903 : f32 to vector<16xf32>
    %sub3A_905 = arith.subf %get3A_902, %sub3A_904 : vector<16xf32>
    %swap3A_906 = arith.constant 4 : i32
    %swap3A_907 = arith.index_cast %swap3A_906 : i32 to index
    %swap3A_908 = arith.constant 80 : index
    %swap3A_909 = tpu.vector_load %arg6[%swap3A_907, %swap3A_908] {strides = array<i32>} : memref<8x128xf32, #tpu.memory_space<vmem>>, vector<1x16xf32>,
    %swap3A_910 = vector.shape_cast %swap3A_909 : vector<1x16xf32> to vector<16xf32>
    %swap3A_911 = vector.shape_cast %sub3A_905 : vector<16xf32> to vector<1x16xf32>
    tpu.vector_store %arg6[%swap3A_907, %swap3A_908], %swap3A_911 {strides = array<i32>} : memref<8x128xf32, #tpu.memory_space<vmem>>, vector<1x16xf32>,
    %get3A_912 = arith.constant 4 : i32
    %get3A_913 = arith.index_cast %get3A_912 : i32 to index
    %get3A_914 = arith.constant 96 : index
    %get3A_915 = tpu.vector_load %arg6[%get3A_913, %get3A_914] {strides = array<i32>} : memref<8x128xf32, #tpu.memory_space<vmem>>, vector<1x16xf32>,
    %get3A_916 = vector.shape_cast %get3A_915 : vector<1x16xf32> to vector<16xf32>
    %sub3A_917 = arith.constant 5.000000e-01 : f32
    %sub3A_918 = vector.broadcast %sub3A_917 : f32 to vector<16xf32>
    %sub3A_919 = arith.subf %get3A_916, %sub3A_918 : vector<16xf32>
    %swap3A_920 = arith.constant 4 : i32
    %swap3A_921 = arith.index_cast %swap3A_920 : i32 to index
    %swap3A_922 = arith.constant 96 : index
    %swap3A_923 = tpu.vector_load %arg6[%swap3A_921, %swap3A_922] {strides = array<i32>} : memref<8x128xf32, #tpu.memory_space<vmem>>, vector<1x16xf32>,
    %swap3A_924 = vector.shape_cast %swap3A_923 : vector<1x16xf32> to vector<16xf32>
    %swap3A_925 = vector.shape_cast %sub3A_919 : vector<16xf32> to vector<1x16xf32>
    tpu.vector_store %arg6[%swap3A_921, %swap3A_922], %swap3A_925 {strides = array<i32>} : memref<8x128xf32, #tpu.memory_space<vmem>>, vector<1x16xf32>,
    %get3A_926 = arith.constant 4 : i32
    %get3A_927 = arith.index_cast %get3A_926 : i32 to index
    %get3A_928 = arith.constant 112 : index
    %get3A_929 = tpu.vector_load %arg6[%get3A_927, %get3A_928] {strides = array<i32>} : memref<8x128xf32, #tpu.memory_space<vmem>>, vector<1x16xf32>,
    %get3A_930 = vector.shape_cast %get3A_929 : vector<1x16xf32> to vector<16xf32>
    %sub3A_931 = arith.constant 5.000000e-01 : f32
    %sub3A_932 = vector.broadcast %sub3A_931 : f32 to vector<16xf32>
    %sub3A_933 = arith.subf %get3A_930, %sub3A_932 : vector<16xf32>
    %swap3A_934 = arith.constant 4 : i32
    %swap3A_935 = arith.index_cast %swap3A_934 : i32 to index
    %swap3A_936 = arith.constant 112 : index
    %swap3A_937 = tpu.vector_load %arg6[%swap3A_935, %swap3A_936] {strides = array<i32>} : memref<8x128xf32, #tpu.memory_space<vmem>>, vector<1x16xf32>,
    %swap3A_938 = vector.shape_cast %swap3A_937 : vector<1x16xf32> to vector<16xf32>
    %swap3A_939 = vector.shape_cast %sub3A_933 : vector<16xf32> to vector<1x16xf32>
    tpu.vector_store %arg6[%swap3A_935, %swap3A_936], %swap3A_939 {strides = array<i32>} : memref<8x128xf32, #tpu.memory_space<vmem>>, vector<1x16xf32>,
    %get3A_940 = arith.constant 5 : i32
    %get3A_941 = arith.index_cast %get3A_940 : i32 to index
    %get3A_942 = arith.constant 0 : index
    %get3A_943 = tpu.vector_load %arg6[%get3A_941, %get3A_942] {strides = array<i32>} : memref<8x128xf32, #tpu.memory_space<vmem>>, vector<1x16xf32>,
    %get3A_944 = vector.shape_cast %get3A_943 : vector<1x16xf32> to vector<16xf32>
    %sub3A_945 = arith.constant 5.000000e-01 : f32
    %sub3A_946 = vector.broadcast %sub3A_945 : f32 to vector<16xf32>
    %sub3A_947 = arith.subf %get3A_944, %sub3A_946 : vector<16xf32>
    %swap3A_948 = arith.constant 5 : i32
    %swap3A_949 = arith.index_cast %swap3A_948 : i32 to index
    %swap3A_950 = arith.constant 0 : index
    %swap3A_951 = tpu.vector_load %arg6[%swap3A_949, %swap3A_950] {strides = array<i32>} : memref<8x128xf32, #tpu.memory_space<vmem>>, vector<1x16xf32>,
    %swap3A_952 = vector.shape_cast %swap3A_951 : vector<1x16xf32> to vector<16xf32>
    %swap3A_953 = vector.shape_cast %sub3A_947 : vector<16xf32> to vector<1x16xf32>
    tpu.vector_store %arg6[%swap3A_949, %swap3A_950], %swap3A_953 {strides = array<i32>} : memref<8x128xf32, #tpu.memory_space<vmem>>, vector<1x16xf32>,
    %get3A_954 = arith.constant 5 : i32
    %get3A_955 = arith.index_cast %get3A_954 : i32 to index
    %get3A_956 = arith.constant 16 : index
    %get3A_957 = tpu.vector_load %arg6[%get3A_955, %get3A_956] {strides = array<i32>} : memref<8x128xf32, #tpu.memory_space<vmem>>, vector<1x16xf32>,
    %get3A_958 = vector.shape_cast %get3A_957 : vector<1x16xf32> to vector<16xf32>
    %sub3A_959 = arith.constant 5.000000e-01 : f32
    %sub3A_960 = vector.broadcast %sub3A_959 : f32 to vector<16xf32>
    %sub3A_961 = arith.subf %get3A_958, %sub3A_960 : vector<16xf32>
    %swap3A_962 = arith.constant 5 : i32
    %swap3A_963 = arith.index_cast %swap3A_962 : i32 to index
    %swap3A_964 = arith.constant 16 : index
    %swap3A_965 = tpu.vector_load %arg6[%swap3A_963, %swap3A_964] {strides = array<i32>} : memref<8x128xf32, #tpu.memory_space<vmem>>, vector<1x16xf32>,
    %swap3A_966 = vector.shape_cast %swap3A_965 : vector<1x16xf32> to vector<16xf32>
    %swap3A_967 = vector.shape_cast %sub3A_961 : vector<16xf32> to vector<1x16xf32>
    tpu.vector_store %arg6[%swap3A_963, %swap3A_964], %swap3A_967 {strides = array<i32>} : memref<8x128xf32, #tpu.memory_space<vmem>>, vector<1x16xf32>,
    %get3A_968 = arith.constant 5 : i32
    %get3A_969 = arith.index_cast %get3A_968 : i32 to index
    %get3A_970 = arith.constant 32 : index
    %get3A_971 = tpu.vector_load %arg6[%get3A_969, %get3A_970] {strides = array<i32>} : memref<8x128xf32, #tpu.memory_space<vmem>>, vector<1x16xf32>,
    %get3A_972 = vector.shape_cast %get3A_971 : vector<1x16xf32> to vector<16xf32>
    %sub3A_973 = arith.constant 5.000000e-01 : f32
    %sub3A_974 = vector.broadcast %sub3A_973 : f32 to vector<16xf32>
    %sub3A_975 = arith.subf %get3A_972, %sub3A_974 : vector<16xf32>
    %swap3A_976 = arith.constant 5 : i32
    %swap3A_977 = arith.index_cast %swap3A_976 : i32 to index
    %swap3A_978 = arith.constant 32 : index
    %swap3A_979 = tpu.vector_load %arg6[%swap3A_977, %swap3A_978] {strides = array<i32>} : memref<8x128xf32, #tpu.memory_space<vmem>>, vector<1x16xf32>,
    %swap3A_980 = vector.shape_cast %swap3A_979 : vector<1x16xf32> to vector<16xf32>
    %swap3A_981 = vector.shape_cast %sub3A_975 : vector<16xf32> to vector<1x16xf32>
    tpu.vector_store %arg6[%swap3A_977, %swap3A_978], %swap3A_981 {strides = array<i32>} : memref<8x128xf32, #tpu.memory_space<vmem>>, vector<1x16xf32>,
    %get3A_982 = arith.constant 5 : i32
    %get3A_983 = arith.index_cast %get3A_982 : i32 to index
    %get3A_984 = arith.constant 48 : index
    %get3A_985 = tpu.vector_load %arg6[%get3A_983, %get3A_984] {strides = array<i32>} : memref<8x128xf32, #tpu.memory_space<vmem>>, vector<1x16xf32>,
    %get3A_986 = vector.shape_cast %get3A_985 : vector<1x16xf32> to vector<16xf32>
    %sub3A_987 = arith.constant 5.000000e-01 : f32
    %sub3A_988 = vector.broadcast %sub3A_987 : f32 to vector<16xf32>
    %sub3A_989 = arith.subf %get3A_986, %sub3A_988 : vector<16xf32>
    %swap3A_990 = arith.constant 5 : i32
    %swap3A_991 = arith.index_cast %swap3A_990 : i32 to index
    %swap3A_992 = arith.constant 48 : index
    %swap3A_993 = tpu.vector_load %arg6[%swap3A_991, %swap3A_992] {strides = array<i32>} : memref<8x128xf32, #tpu.memory_space<vmem>>, vector<1x16xf32>,
    %swap3A_994 = vector.shape_cast %swap3A_993 : vector<1x16xf32> to vector<16xf32>
    %swap3A_995 = vector.shape_cast %sub3A_989 : vector<16xf32> to vector<1x16xf32>
    tpu.vector_store %arg6[%swap3A_991, %swap3A_992], %swap3A_995 {strides = array<i32>} : memref<8x128xf32, #tpu.memory_space<vmem>>, vector<1x16xf32>,
    %get3A_996 = arith.constant 5 : i32
    %get3A_997 = arith.index_cast %get3A_996 : i32 to index
    %get3A_998 = arith.constant 64 : index
    %get3A_999 = tpu.vector_load %arg6[%get3A_997, %get3A_998] {strides = array<i32>} : memref<8x128xf32, #tpu.memory_space<vmem>>, vector<1x16xf32>,
    %get3A_1000 = vector.shape_cast %get3A_999 : vector<1x16xf32> to vector<16xf32>
    %sub3A_1001 = arith.constant 5.000000e-01 : f32
    %sub3A_1002 = vector.broadcast %sub3A_1001 : f32 to vector<16xf32>
    %sub3A_1003 = arith.subf %get3A_1000, %sub3A_1002 : vector<16xf32>
    %swap3A_1004 = arith.constant 5 : i32
    %swap3A_1005 = arith.index_cast %swap3A_1004 : i32 to index
    %swap3A_1006 = arith.constant 64 : index
    %swap3A_1007 = tpu.vector_load %arg6[%swap3A_1005, %swap3A_1006] {strides = array<i32>} : memref<8x128xf32, #tpu.memory_space<vmem>>, vector<1x16xf32>,
    %swap3A_1008 = vector.shape_cast %swap3A_1007 : vector<1x16xf32> to vector<16xf32>
    %swap3A_1009 = vector.shape_cast %sub3A_1003 : vector<16xf32> to vector<1x16xf32>
    tpu.vector_store %arg6[%swap3A_1005, %swap3A_1006], %swap3A_1009 {strides = array<i32>} : memref<8x128xf32, #tpu.memory_space<vmem>>, vector<1x16xf32>,
    %get3A_1010 = arith.constant 5 : i32
    %get3A_1011 = arith.index_cast %get3A_1010 : i32 to index
    %get3A_1012 = arith.constant 80 : index
    %get3A_1013 = tpu.vector_load %arg6[%get3A_1011, %get3A_1012] {strides = array<i32>} : memref<8x128xf32, #tpu.memory_space<vmem>>, vector<1x16xf32>,
    %get3A_1014 = vector.shape_cast %get3A_1013 : vector<1x16xf32> to vector<16xf32>
    %sub3A_1015 = arith.constant 5.000000e-01 : f32
    %sub3A_1016 = vector.broadcast %sub3A_1015 : f32 to vector<16xf32>
    %sub3A_1017 = arith.subf %get3A_1014, %sub3A_1016 : vector<16xf32>
    %swap3A_1018 = arith.constant 5 : i32
    %swap3A_1019 = arith.index_cast %swap3A_1018 : i32 to index
    %swap3A_1020 = arith.constant 80 : index
    %swap3A_1021 = tpu.vector_load %arg6[%swap3A_1019, %swap3A_1020] {strides = array<i32>} : memref<8x128xf32, #tpu.memory_space<vmem>>, vector<1x16xf32>,
    %swap3A_1022 = vector.shape_cast %swap3A_1021 : vector<1x16xf32> to vector<16xf32>
    %swap3A_1023 = vector.shape_cast %sub3A_1017 : vector<16xf32> to vector<1x16xf32>
    tpu.vector_store %arg6[%swap3A_1019, %swap3A_1020], %swap3A_1023 {strides = array<i32>} : memref<8x128xf32, #tpu.memory_space<vmem>>, vector<1x16xf32>,
    %get3A_1024 = arith.constant 5 : i32
    %get3A_1025 = arith.index_cast %get3A_1024 : i32 to index
    %get3A_1026 = arith.constant 96 : index
    %get3A_1027 = tpu.vector_load %arg6[%get3A_1025, %get3A_1026] {strides = array<i32>} : memref<8x128xf32, #tpu.memory_space<vmem>>, vector<1x16xf32>,
    %get3A_1028 = vector.shape_cast %get3A_1027 : vector<1x16xf32> to vector<16xf32>
    %sub3A_1029 = arith.constant 5.000000e-01 : f32
    %sub3A_1030 = vector.broadcast %sub3A_1029 : f32 to vector<16xf32>
    %sub3A_1031 = arith.subf %get3A_1028, %sub3A_1030 : vector<16xf32>
    %swap3A_1032 = arith.constant 5 : i32
    %swap3A_1033 = arith.index_cast %swap3A_1032 : i32 to index
    %swap3A_1034 = arith.constant 96 : index
    %swap3A_1035 = tpu.vector_load %arg6[%swap3A_1033, %swap3A_1034] {strides = array<i32>} : memref<8x128xf32, #tpu.memory_space<vmem>>, vector<1x16xf32>,
    %swap3A_1036 = vector.shape_cast %swap3A_1035 : vector<1x16xf32> to vector<16xf32>
    %swap3A_1037 = vector.shape_cast %sub3A_1031 : vector<16xf32> to vector<1x16xf32>
    tpu.vector_store %arg6[%swap3A_1033, %swap3A_1034], %swap3A_1037 {strides = array<i32>} : memref<8x128xf32, #tpu.memory_space<vmem>>, vector<1x16xf32>,
    %get3A_1038 = arith.constant 5 : i32
    %get3A_1039 = arith.index_cast %get3A_1038 : i32 to index
    %get3A_1040 = arith.constant 112 : index
    %get3A_1041 = tpu.vector_load %arg6[%get3A_1039, %get3A_1040] {strides = array<i32>} : memref<8x128xf32, #tpu.memory_space<vmem>>, vector<1x16xf32>,
    %get3A_1042 = vector.shape_cast %get3A_1041 : vector<1x16xf32> to vector<16xf32>
    %sub3A_1043 = arith.constant 5.000000e-01 : f32
    %sub3A_1044 = vector.broadcast %sub3A_1043 : f32 to vector<16xf32>
    %sub3A_1045 = arith.subf %get3A_1042, %sub3A_1044 : vector<16xf32>
    %swap3A_1046 = arith.constant 5 : i32
    %swap3A_1047 = arith.index_cast %swap3A_1046 : i32 to index
    %swap3A_1048 = arith.constant 112 : index
    %swap3A_1049 = tpu.vector_load %arg6[%swap3A_1047, %swap3A_1048] {strides = array<i32>} : memref<8x128xf32, #tpu.memory_space<vmem>>, vector<1x16xf32>,
    %swap3A_1050 = vector.shape_cast %swap3A_1049 : vector<1x16xf32> to vector<16xf32>
    %swap3A_1051 = vector.shape_cast %sub3A_1045 : vector<16xf32> to vector<1x16xf32>
    tpu.vector_store %arg6[%swap3A_1047, %swap3A_1048], %swap3A_1051 {strides = array<i32>} : memref<8x128xf32, #tpu.memory_space<vmem>>, vector<1x16xf32>,
    %get3A_1052 = arith.constant 6 : i32
    %get3A_1053 = arith.index_cast %get3A_1052 : i32 to index
    %get3A_1054 = arith.constant 0 : index
    %get3A_1055 = tpu.vector_load %arg6[%get3A_1053, %get3A_1054] {strides = array<i32>} : memref<8x128xf32, #tpu.memory_space<vmem>>, vector<1x16xf32>,
    %get3A_1056 = vector.shape_cast %get3A_1055 : vector<1x16xf32> to vector<16xf32>
    %sub3A_1057 = arith.constant 5.000000e-01 : f32
    %sub3A_1058 = vector.broadcast %sub3A_1057 : f32 to vector<16xf32>
    %sub3A_1059 = arith.subf %get3A_1056, %sub3A_1058 : vector<16xf32>
    %swap3A_1060 = arith.constant 6 : i32
    %swap3A_1061 = arith.index_cast %swap3A_1060 : i32 to index
    %swap3A_1062 = arith.constant 0 : index
    %swap3A_1063 = tpu.vector_load %arg6[%swap3A_1061, %swap3A_1062] {strides = array<i32>} : memref<8x128xf32, #tpu.memory_space<vmem>>, vector<1x16xf32>,
    %swap3A_1064 = vector.shape_cast %swap3A_1063 : vector<1x16xf32> to vector<16xf32>
    %swap3A_1065 = vector.shape_cast %sub3A_1059 : vector<16xf32> to vector<1x16xf32>
    tpu.vector_store %arg6[%swap3A_1061, %swap3A_1062], %swap3A_1065 {strides = array<i32>} : memref<8x128xf32, #tpu.memory_space<vmem>>, vector<1x16xf32>,
    %get3A_1066 = arith.constant 6 : i32
    %get3A_1067 = arith.index_cast %get3A_1066 : i32 to index
    %get3A_1068 = arith.constant 16 : index
    %get3A_1069 = tpu.vector_load %arg6[%get3A_1067, %get3A_1068] {strides = array<i32>} : memref<8x128xf32, #tpu.memory_space<vmem>>, vector<1x16xf32>,
    %get3A_1070 = vector.shape_cast %get3A_1069 : vector<1x16xf32> to vector<16xf32>
    %sub3A_1071 = arith.constant 5.000000e-01 : f32
    %sub3A_1072 = vector.broadcast %sub3A_1071 : f32 to vector<16xf32>
    %sub3A_1073 = arith.subf %get3A_1070, %sub3A_1072 : vector<16xf32>
    %swap3A_1074 = arith.constant 6 : i32
    %swap3A_1075 = arith.index_cast %swap3A_1074 : i32 to index
    %swap3A_1076 = arith.constant 16 : index
    %swap3A_1077 = tpu.vector_load %arg6[%swap3A_1075, %swap3A_1076] {strides = array<i32>} : memref<8x128xf32, #tpu.memory_space<vmem>>, vector<1x16xf32>,
    %swap3A_1078 = vector.shape_cast %swap3A_1077 : vector<1x16xf32> to vector<16xf32>
    %swap3A_1079 = vector.shape_cast %sub3A_1073 : vector<16xf32> to vector<1x16xf32>
    tpu.vector_store %arg6[%swap3A_1075, %swap3A_1076], %swap3A_1079 {strides = array<i32>} : memref<8x128xf32, #tpu.memory_space<vmem>>, vector<1x16xf32>,
    %get3A_1080 = arith.constant 6 : i32
    %get3A_1081 = arith.index_cast %get3A_1080 : i32 to index
    %get3A_1082 = arith.constant 32 : index
    %get3A_1083 = tpu.vector_load %arg6[%get3A_1081, %get3A_1082] {strides = array<i32>} : memref<8x128xf32, #tpu.memory_space<vmem>>, vector<1x16xf32>,
    %get3A_1084 = vector.shape_cast %get3A_1083 : vector<1x16xf32> to vector<16xf32>
    %sub3A_1085 = arith.constant 5.000000e-01 : f32
    %sub3A_1086 = vector.broadcast %sub3A_1085 : f32 to vector<16xf32>
    %sub3A_1087 = arith.subf %get3A_1084, %sub3A_1086 : vector<16xf32>
    %swap3A_1088 = arith.constant 6 : i32
    %swap3A_1089 = arith.index_cast %swap3A_1088 : i32 to index
    %swap3A_1090 = arith.constant 32 : index
    %swap3A_1091 = tpu.vector_load %arg6[%swap3A_1089, %swap3A_1090] {strides = array<i32>} : memref<8x128xf32, #tpu.memory_space<vmem>>, vector<1x16xf32>,
    %swap3A_1092 = vector.shape_cast %swap3A_1091 : vector<1x16xf32> to vector<16xf32>
    %swap3A_1093 = vector.shape_cast %sub3A_1087 : vector<16xf32> to vector<1x16xf32>
    tpu.vector_store %arg6[%swap3A_1089, %swap3A_1090], %swap3A_1093 {strides = array<i32>} : memref<8x128xf32, #tpu.memory_space<vmem>>, vector<1x16xf32>,
    %get3A_1094 = arith.constant 6 : i32
    %get3A_1095 = arith.index_cast %get3A_1094 : i32 to index
    %get3A_1096 = arith.constant 48 : index
    %get3A_1097 = tpu.vector_load %arg6[%get3A_1095, %get3A_1096] {strides = array<i32>} : memref<8x128xf32, #tpu.memory_space<vmem>>, vector<1x16xf32>,
    %get3A_1098 = vector.shape_cast %get3A_1097 : vector<1x16xf32> to vector<16xf32>
    %sub3A_1099 = arith.constant 5.000000e-01 : f32
    %sub3A_1100 = vector.broadcast %sub3A_1099 : f32 to vector<16xf32>
    %sub3A_1101 = arith.subf %get3A_1098, %sub3A_1100 : vector<16xf32>
    %swap3A_1102 = arith.constant 6 : i32
    %swap3A_1103 = arith.index_cast %swap3A_1102 : i32 to index
    %swap3A_1104 = arith.constant 48 : index
    %swap3A_1105 = tpu.vector_load %arg6[%swap3A_1103, %swap3A_1104] {strides = array<i32>} : memref<8x128xf32, #tpu.memory_space<vmem>>, vector<1x16xf32>,
    %swap3A_1106 = vector.shape_cast %swap3A_1105 : vector<1x16xf32> to vector<16xf32>
    %swap3A_1107 = vector.shape_cast %sub3A_1101 : vector<16xf32> to vector<1x16xf32>
    tpu.vector_store %arg6[%swap3A_1103, %swap3A_1104], %swap3A_1107 {strides = array<i32>} : memref<8x128xf32, #tpu.memory_space<vmem>>, vector<1x16xf32>,
    %get3A_1108 = arith.constant 6 : i32
    %get3A_1109 = arith.index_cast %get3A_1108 : i32 to index
    %get3A_1110 = arith.constant 64 : index
    %get3A_1111 = tpu.vector_load %arg6[%get3A_1109, %get3A_1110] {strides = array<i32>} : memref<8x128xf32, #tpu.memory_space<vmem>>, vector<1x16xf32>,
    %get3A_1112 = vector.shape_cast %get3A_1111 : vector<1x16xf32> to vector<16xf32>
    %sub3A_1113 = arith.constant 5.000000e-01 : f32
    %sub3A_1114 = vector.broadcast %sub3A_1113 : f32 to vector<16xf32>
    %sub3A_1115 = arith.subf %get3A_1112, %sub3A_1114 : vector<16xf32>
    %swap3A_1116 = arith.constant 6 : i32
    %swap3A_1117 = arith.index_cast %swap3A_1116 : i32 to index
    %swap3A_1118 = arith.constant 64 : index
    %swap3A_1119 = tpu.vector_load %arg6[%swap3A_1117, %swap3A_1118] {strides = array<i32>} : memref<8x128xf32, #tpu.memory_space<vmem>>, vector<1x16xf32>,
    %swap3A_1120 = vector.shape_cast %swap3A_1119 : vector<1x16xf32> to vector<16xf32>
    %swap3A_1121 = vector.shape_cast %sub3A_1115 : vector<16xf32> to vector<1x16xf32>
    tpu.vector_store %arg6[%swap3A_1117, %swap3A_1118], %swap3A_1121 {strides = array<i32>} : memref<8x128xf32, #tpu.memory_space<vmem>>, vector<1x16xf32>,
    %get3A_1122 = arith.constant 6 : i32
    %get3A_1123 = arith.index_cast %get3A_1122 : i32 to index
    %get3A_1124 = arith.constant 80 : index
    %get3A_1125 = tpu.vector_load %arg6[%get3A_1123, %get3A_1124] {strides = array<i32>} : memref<8x128xf32, #tpu.memory_space<vmem>>, vector<1x16xf32>,
    %get3A_1126 = vector.shape_cast %get3A_1125 : vector<1x16xf32> to vector<16xf32>
    %sub3A_1127 = arith.constant 5.000000e-01 : f32
    %sub3A_1128 = vector.broadcast %sub3A_1127 : f32 to vector<16xf32>
    %sub3A_1129 = arith.subf %get3A_1126, %sub3A_1128 : vector<16xf32>
    %swap3A_1130 = arith.constant 6 : i32
    %swap3A_1131 = arith.index_cast %swap3A_1130 : i32 to index
    %swap3A_1132 = arith.constant 80 : index
    %swap3A_1133 = tpu.vector_load %arg6[%swap3A_1131, %swap3A_1132] {strides = array<i32>} : memref<8x128xf32, #tpu.memory_space<vmem>>, vector<1x16xf32>,
    %swap3A_1134 = vector.shape_cast %swap3A_1133 : vector<1x16xf32> to vector<16xf32>
    %swap3A_1135 = vector.shape_cast %sub3A_1129 : vector<16xf32> to vector<1x16xf32>
    tpu.vector_store %arg6[%swap3A_1131, %swap3A_1132], %swap3A_1135 {strides = array<i32>} : memref<8x128xf32, #tpu.memory_space<vmem>>, vector<1x16xf32>,
    %get3A_1136 = arith.constant 6 : i32
    %get3A_1137 = arith.index_cast %get3A_1136 : i32 to index
    %get3A_1138 = arith.constant 96 : index
    %get3A_1139 = tpu.vector_load %arg6[%get3A_1137, %get3A_1138] {strides = array<i32>} : memref<8x128xf32, #tpu.memory_space<vmem>>, vector<1x16xf32>,
    %get3A_1140 = vector.shape_cast %get3A_1139 : vector<1x16xf32> to vector<16xf32>
    %sub3A_1141 = arith.constant 5.000000e-01 : f32
    %sub3A_1142 = vector.broadcast %sub3A_1141 : f32 to vector<16xf32>
    %sub3A_1143 = arith.subf %get3A_1140, %sub3A_1142 : vector<16xf32>
    %swap3A_1144 = arith.constant 6 : i32
    %swap3A_1145 = arith.index_cast %swap3A_1144 : i32 to index
    %swap3A_1146 = arith.constant 96 : index
    %swap3A_1147 = tpu.vector_load %arg6[%swap3A_1145, %swap3A_1146] {strides = array<i32>} : memref<8x128xf32, #tpu.memory_space<vmem>>, vector<1x16xf32>,
    %swap3A_1148 = vector.shape_cast %swap3A_1147 : vector<1x16xf32> to vector<16xf32>
    %swap3A_1149 = vector.shape_cast %sub3A_1143 : vector<16xf32> to vector<1x16xf32>
    tpu.vector_store %arg6[%swap3A_1145, %swap3A_1146], %swap3A_1149 {strides = array<i32>} : memref<8x128xf32, #tpu.memory_space<vmem>>, vector<1x16xf32>,
    %get3A_1150 = arith.constant 6 : i32
    %get3A_1151 = arith.index_cast %get3A_1150 : i32 to index
    %get3A_1152 = arith.constant 112 : index
    %get3A_1153 = tpu.vector_load %arg6[%get3A_1151, %get3A_1152] {strides = array<i32>} : memref<8x128xf32, #tpu.memory_space<vmem>>, vector<1x16xf32>,
    %get3A_1154 = vector.shape_cast %get3A_1153 : vector<1x16xf32> to vector<16xf32>
    %sub3A_1155 = arith.constant 5.000000e-01 : f32
    %sub3A_1156 = vector.broadcast %sub3A_1155 : f32 to vector<16xf32>
    %sub3A_1157 = arith.subf %get3A_1154, %sub3A_1156 : vector<16xf32>
    %swap3A_1158 = arith.constant 6 : i32
    %swap3A_1159 = arith.index_cast %swap3A_1158 : i32 to index
    %swap3A_1160 = arith.constant 112 : index
    %swap3A_1161 = tpu.vector_load %arg6[%swap3A_1159, %swap3A_1160] {strides = array<i32>} : memref<8x128xf32, #tpu.memory_space<vmem>>, vector<1x16xf32>,
    %swap3A_1162 = vector.shape_cast %swap3A_1161 : vector<1x16xf32> to vector<16xf32>
    %swap3A_1163 = vector.shape_cast %sub3A_1157 : vector<16xf32> to vector<1x16xf32>
    tpu.vector_store %arg6[%swap3A_1159, %swap3A_1160], %swap3A_1163 {strides = array<i32>} : memref<8x128xf32, #tpu.memory_space<vmem>>, vector<1x16xf32>,
    %get3A_1164 = arith.constant 7 : i32
    %get3A_1165 = arith.index_cast %get3A_1164 : i32 to index
    %get3A_1166 = arith.constant 0 : index
    %get3A_1167 = tpu.vector_load %arg6[%get3A_1165, %get3A_1166] {strides = array<i32>} : memref<8x128xf32, #tpu.memory_space<vmem>>, vector<1x16xf32>,
    %get3A_1168 = vector.shape_cast %get3A_1167 : vector<1x16xf32> to vector<16xf32>
    %sub3A_1169 = arith.constant 5.000000e-01 : f32
    %sub3A_1170 = vector.broadcast %sub3A_1169 : f32 to vector<16xf32>
    %sub3A_1171 = arith.subf %get3A_1168, %sub3A_1170 : vector<16xf32>
    %swap3A_1172 = arith.constant 7 : i32
    %swap3A_1173 = arith.index_cast %swap3A_1172 : i32 to index
    %swap3A_1174 = arith.constant 0 : index
    %swap3A_1175 = tpu.vector_load %arg6[%swap3A_1173, %swap3A_1174] {strides = array<i32>} : memref<8x128xf32, #tpu.memory_space<vmem>>, vector<1x16xf32>,
    %swap3A_1176 = vector.shape_cast %swap3A_1175 : vector<1x16xf32> to vector<16xf32>
    %swap3A_1177 = vector.shape_cast %sub3A_1171 : vector<16xf32> to vector<1x16xf32>
    tpu.vector_store %arg6[%swap3A_1173, %swap3A_1174], %swap3A_1177 {strides = array<i32>} : memref<8x128xf32, #tpu.memory_space<vmem>>, vector<1x16xf32>,
    %get3A_1178 = arith.constant 7 : i32
    %get3A_1179 = arith.index_cast %get3A_1178 : i32 to index
    %get3A_1180 = arith.constant 16 : index
    %get3A_1181 = tpu.vector_load %arg6[%get3A_1179, %get3A_1180] {strides = array<i32>} : memref<8x128xf32, #tpu.memory_space<vmem>>, vector<1x16xf32>,
    %get3A_1182 = vector.shape_cast %get3A_1181 : vector<1x16xf32> to vector<16xf32>
    %sub3A_1183 = arith.constant 5.000000e-01 : f32
    %sub3A_1184 = vector.broadcast %sub3A_1183 : f32 to vector<16xf32>
    %sub3A_1185 = arith.subf %get3A_1182, %sub3A_1184 : vector<16xf32>
    %swap3A_1186 = arith.constant 7 : i32
    %swap3A_1187 = arith.index_cast %swap3A_1186 : i32 to index
    %swap3A_1188 = arith.constant 16 : index
    %swap3A_1189 = tpu.vector_load %arg6[%swap3A_1187, %swap3A_1188] {strides = array<i32>} : memref<8x128xf32, #tpu.memory_space<vmem>>, vector<1x16xf32>,
    %swap3A_1190 = vector.shape_cast %swap3A_1189 : vector<1x16xf32> to vector<16xf32>
    %swap3A_1191 = vector.shape_cast %sub3A_1185 : vector<16xf32> to vector<1x16xf32>
    tpu.vector_store %arg6[%swap3A_1187, %swap3A_1188], %swap3A_1191 {strides = array<i32>} : memref<8x128xf32, #tpu.memory_space<vmem>>, vector<1x16xf32>,
    %get3A_1192 = arith.constant 7 : i32
    %get3A_1193 = arith.index_cast %get3A_1192 : i32 to index
    %get3A_1194 = arith.constant 32 : index
    %get3A_1195 = tpu.vector_load %arg6[%get3A_1193, %get3A_1194] {strides = array<i32>} : memref<8x128xf32, #tpu.memory_space<vmem>>, vector<1x16xf32>,
    %get3A_1196 = vector.shape_cast %get3A_1195 : vector<1x16xf32> to vector<16xf32>
    %sub3A_1197 = arith.constant 5.000000e-01 : f32
    %sub3A_1198 = vector.broadcast %sub3A_1197 : f32 to vector<16xf32>
    %sub3A_1199 = arith.subf %get3A_1196, %sub3A_1198 : vector<16xf32>
    %swap3A_1200 = arith.constant 7 : i32
    %swap3A_1201 = arith.index_cast %swap3A_1200 : i32 to index
    %swap3A_1202 = arith.constant 32 : index
    %swap3A_1203 = tpu.vector_load %arg6[%swap3A_1201, %swap3A_1202] {strides = array<i32>} : memref<8x128xf32, #tpu.memory_space<vmem>>, vector<1x16xf32>,
    %swap3A_1204 = vector.shape_cast %swap3A_1203 : vector<1x16xf32> to vector<16xf32>
    %swap3A_1205 = vector.shape_cast %sub3A_1199 : vector<16xf32> to vector<1x16xf32>
    tpu.vector_store %arg6[%swap3A_1201, %swap3A_1202], %swap3A_1205 {strides = array<i32>} : memref<8x128xf32, #tpu.memory_space<vmem>>, vector<1x16xf32>,
    %get3A_1206 = arith.constant 7 : i32
    %get3A_1207 = arith.index_cast %get3A_1206 : i32 to index
    %get3A_1208 = arith.constant 48 : index
    %get3A_1209 = tpu.vector_load %arg6[%get3A_1207, %get3A_1208] {strides = array<i32>} : memref<8x128xf32, #tpu.memory_space<vmem>>, vector<1x16xf32>,
    %get3A_1210 = vector.shape_cast %get3A_1209 : vector<1x16xf32> to vector<16xf32>
    %sub3A_1211 = arith.constant 5.000000e-01 : f32
    %sub3A_1212 = vector.broadcast %sub3A_1211 : f32 to vector<16xf32>
    %sub3A_1213 = arith.subf %get3A_1210, %sub3A_1212 : vector<16xf32>
    %swap3A_1214 = arith.constant 7 : i32
    %swap3A_1215 = arith.index_cast %swap3A_1214 : i32 to index
    %swap3A_1216 = arith.constant 48 : index
    %swap3A_1217 = tpu.vector_load %arg6[%swap3A_1215, %swap3A_1216] {strides = array<i32>} : memref<8x128xf32, #tpu.memory_space<vmem>>, vector<1x16xf32>,
    %swap3A_1218 = vector.shape_cast %swap3A_1217 : vector<1x16xf32> to vector<16xf32>
    %swap3A_1219 = vector.shape_cast %sub3A_1213 : vector<16xf32> to vector<1x16xf32>
    tpu.vector_store %arg6[%swap3A_1215, %swap3A_1216], %swap3A_1219 {strides = array<i32>} : memref<8x128xf32, #tpu.memory_space<vmem>>, vector<1x16xf32>,
    %get3A_1220 = arith.constant 7 : i32
    %get3A_1221 = arith.index_cast %get3A_1220 : i32 to index
    %get3A_1222 = arith.constant 64 : index
    %get3A_1223 = tpu.vector_load %arg6[%get3A_1221, %get3A_1222] {strides = array<i32>} : memref<8x128xf32, #tpu.memory_space<vmem>>, vector<1x16xf32>,
    %get3A_1224 = vector.shape_cast %get3A_1223 : vector<1x16xf32> to vector<16xf32>
    %sub3A_1225 = arith.constant 5.000000e-01 : f32
    %sub3A_1226 = vector.broadcast %sub3A_1225 : f32 to vector<16xf32>
    %sub3A_1227 = arith.subf %get3A_1224, %sub3A_1226 : vector<16xf32>
    %swap3A_1228 = arith.constant 7 : i32
    %swap3A_1229 = arith.index_cast %swap3A_1228 : i32 to index
    %swap3A_1230 = arith.constant 64 : index
    %swap3A_1231 = tpu.vector_load %arg6[%swap3A_1229, %swap3A_1230] {strides = array<i32>} : memref<8x128xf32, #tpu.memory_space<vmem>>, vector<1x16xf32>,
    %swap3A_1232 = vector.shape_cast %swap3A_1231 : vector<1x16xf32> to vector<16xf32>
    %swap3A_1233 = vector.shape_cast %sub3A_1227 : vector<16xf32> to vector<1x16xf32>
    tpu.vector_store %arg6[%swap3A_1229, %swap3A_1230], %swap3A_1233 {strides = array<i32>} : memref<8x128xf32, #tpu.memory_space<vmem>>, vector<1x16xf32>,
    %get3A_1234 = arith.constant 7 : i32
    %get3A_1235 = arith.index_cast %get3A_1234 : i32 to index
    %get3A_1236 = arith.constant 80 : index
    %get3A_1237 = tpu.vector_load %arg6[%get3A_1235, %get3A_1236] {strides = array<i32>} : memref<8x128xf32, #tpu.memory_space<vmem>>, vector<1x16xf32>,
    %get3A_1238 = vector.shape_cast %get3A_1237 : vector<1x16xf32> to vector<16xf32>
    %sub3A_1239 = arith.constant 5.000000e-01 : f32
    %sub3A_1240 = vector.broadcast %sub3A_1239 : f32 to vector<16xf32>
    %sub3A_1241 = arith.subf %get3A_1238, %sub3A_1240 : vector<16xf32>
    %swap3A_1242 = arith.constant 7 : i32
    %swap3A_1243 = arith.index_cast %swap3A_1242 : i32 to index
    %swap3A_1244 = arith.constant 80 : index
    %swap3A_1245 = tpu.vector_load %arg6[%swap3A_1243, %swap3A_1244] {strides = array<i32>} : memref<8x128xf32, #tpu.memory_space<vmem>>, vector<1x16xf32>,
    %swap3A_1246 = vector.shape_cast %swap3A_1245 : vector<1x16xf32> to vector<16xf32>
    %swap3A_1247 = vector.shape_cast %sub3A_1241 : vector<16xf32> to vector<1x16xf32>
    tpu.vector_store %arg6[%swap3A_1243, %swap3A_1244], %swap3A_1247 {strides = array<i32>} : memref<8x128xf32, #tpu.memory_space<vmem>>, vector<1x16xf32>,
    %get3A_1248 = arith.constant 7 : i32
    %get3A_1249 = arith.index_cast %get3A_1248 : i32 to index
    %get3A_1250 = arith.constant 96 : index
    %get3A_1251 = tpu.vector_load %arg6[%get3A_1249, %get3A_1250] {strides = array<i32>} : memref<8x128xf32, #tpu.memory_space<vmem>>, vector<1x16xf32>,
    %get3A_1252 = vector.shape_cast %get3A_1251 : vector<1x16xf32> to vector<16xf32>
    %sub3A_1253 = arith.constant 5.000000e-01 : f32
    %sub3A_1254 = vector.broadcast %sub3A_1253 : f32 to vector<16xf32>
    %sub3A_1255 = arith.subf %get3A_1252, %sub3A_1254 : vector<16xf32>
    %swap3A_1256 = arith.constant 7 : i32
    %swap3A_1257 = arith.index_cast %swap3A_1256 : i32 to index
    %swap3A_1258 = arith.constant 96 : index
    %swap3A_1259 = tpu.vector_load %arg6[%swap3A_1257, %swap3A_1258] {strides = array<i32>} : memref<8x128xf32, #tpu.memory_space<vmem>>, vector<1x16xf32>,
    %swap3A_1260 = vector.shape_cast %swap3A_1259 : vector<1x16xf32> to vector<16xf32>
    %swap3A_1261 = vector.shape_cast %sub3A_1255 : vector<16xf32> to vector<1x16xf32>
    tpu.vector_store %arg6[%swap3A_1257, %swap3A_1258], %swap3A_1261 {strides = array<i32>} : memref<8x128xf32, #tpu.memory_space<vmem>>, vector<1x16xf32>,
    %get3A_1262 = arith.constant 7 : i32
    %get3A_1263 = arith.index_cast %get3A_1262 : i32 to index
    %get3A_1264 = arith.constant 112 : index
    %get3A_1265 = tpu.vector_load %arg6[%get3A_1263, %get3A_1264] {strides = array<i32>} : memref<8x128xf32, #tpu.memory_space<vmem>>, vector<1x16xf32>,
    %get3A_1266 = vector.shape_cast %get3A_1265 : vector<1x16xf32> to vector<16xf32>
    %sub3A_1267 = arith.constant 5.000000e-01 : f32
    %sub3A_1268 = vector.broadcast %sub3A_1267 : f32 to vector<16xf32>
    %sub3A_1269 = arith.subf %get3A_1266, %sub3A_1268 : vector<16xf32>
    %swap3A_1270 = arith.constant 7 : i32
    %swap3A_1271 = arith.index_cast %swap3A_1270 : i32 to index
    %swap3A_1272 = arith.constant 112 : index
    %swap3A_1273 = tpu.vector_load %arg6[%swap3A_1271, %swap3A_1272] {strides = array<i32>} : memref<8x128xf32, #tpu.memory_space<vmem>>, vector<1x16xf32>,
    %swap3A_1274 = vector.shape_cast %swap3A_1273 : vector<1x16xf32> to vector<16xf32>
    %swap3A_1275 = vector.shape_cast %sub3A_1269 : vector<16xf32> to vector<1x16xf32>
    tpu.vector_store %arg6[%swap3A_1271, %swap3A_1272], %swap3A_1275 {strides = array<i32>} : memref<8x128xf32, #tpu.memory_space<vmem>>, vector<1x16xf32>,
    "tpu.region"() ({
      %run_scoped3A = tpu.sem_alloc : memref<!tpu.dma_semaphore, #tpu.memory_space<semaphore_mem>>
      %dma_start3A_1276 = arith.constant 0 : i32
      %dma_start3A_1277 = arith.constant 0 : i32
      %dma_start3A_1278 = tpu.memref_slice %arg4[%add3A, %dma_start3A_1276, %dma_start3A_1277] : memref<16x8x128xf32, #tpu.memory_space<hbm>> -> memref<1x8x128xf32, #tpu.memory_space<hbm>>
      %dma_start3A_1279 = tpu.memref_squeeze %dma_start3A_1278 : memref<1x8x128xf32, #tpu.memory_space<hbm>> -> memref<8x128xf32, #tpu.memory_space<hbm>>
      %dma_start3A_1280 = arith.constant 0 : i32
      %dma_start3A_1281 = arith.constant 0 : i32
      %dma_start3A_1282 = tpu.memref_slice %arg4[%add3A, %dma_start3A_1280, %dma_start3A_1281] : memref<16x8x128xf32, #tpu.memory_space<hbm>> -> memref<1x8x128xf32, #tpu.memory_space<hbm>>
      %dma_start3A_1283 = tpu.memref_squeeze %dma_start3A_1282 : memref<1x8x128xf32, #tpu.memory_space<hbm>> -> memref<8x128xf32, #tpu.memory_space<hbm>>
      tpu.enqueue_dma source(%arg6 : memref<8x128xf32, #tpu.memory_space<vmem>>) target(%dma_start3A_1283 : memref<8x128xf32, #tpu.memory_space<hbm>>) target_semaphore(%run_scoped3A : memref<!tpu.dma_semaphore, #tpu.memory_space<semaphore_mem>>)
      %dma_wait3A_1284 = arith.constant 0 : i32
      %dma_wait3A_1285 = arith.constant 0 : i32
      %dma_wait3A_1286 = tpu.memref_slice %arg4[%add3A, %dma_wait3A_1284, %dma_wait3A_1285] : memref<16x8x128xf32, #tpu.memory_space<hbm>> -> memref<1x8x128xf32, #tpu.memory_space<hbm>>
      %dma_wait3A_1287 = tpu.memref_squeeze %dma_wait3A_1286 : memref<1x8x128xf32, #tpu.memory_space<hbm>> -> memref<8x128xf32, #tpu.memory_space<hbm>>
      %dma_wait3A_1288 = arith.constant 0 : i32
      %dma_wait3A_1289 = arith.constant 0 : i32
      %dma_wait3A_1290 = tpu.memref_slice %arg4[%add3A, %dma_wait3A_1288, %dma_wait3A_1289] : memref<16x8x128xf32, #tpu.memory_space<hbm>> -> memref<1x8x128xf32, #tpu.memory_space<hbm>>
      %dma_wait3A_1291 = tpu.memref_squeeze %dma_wait3A_1290 : memref<1x8x128xf32, #tpu.memory_space<hbm>> -> memref<8x128xf32, #tpu.memory_space<hbm>>
      tpu.wait_dma2 semaphore(%run_scoped3A : memref<!tpu.dma_semaphore, #tpu.memory_space<semaphore_mem>>) src(%arg6 : memref<8x128xf32, #tpu.memory_space<vmem>>) dst(%dma_wait3A_1291 : memref<8x128xf32, #tpu.memory_space<hbm>>)
      tpu.yield
    }) : () -> ()
    return
  }
}

</mosaic_0001>

<sc_bundles>
// kernel: kernel.3.cloned.1.call-start
scs
__scs_entry_jumppad:
0x0: {  	(pc) =	sbr.rel $0x88, $3  }
0x1: {  	(tag) =	ssettag $0x0;
	lr =	simm.s32 $0x1  }
0x2: {  	[smem:$0x3F9F] =	sst lr;
	_ =	strace $0xD0000000  }
0x3: {  	_ = 	snop  }
0x4: {  	_ = 	snop  }
0x5: {  	_ = 	snop  }
0x6: {  	_ = 	snop  }
0x7: {  	_ = 	snop  }
__scs_overlays_trampoline_lowered:
0x8: {  	[smem:$0x3FAE] =	sst s0  }
0x9: {  	[smem:$0x3FAF] =	sst s1  }
0xa: {  	[smem:$0x3FB0] =	sst s2  }
0xb: {  	[smem:$0x3FB1] =	sst s3  }
0xc: {  	[smem:$0x3FB2] =	sst s4  }
0xd: {  	[smem:$0x3FB3] =	sst s5  }
0xe: {  	[smem:$0x3FB4] =	sst s6  }
0xf: {  	[smem:$0x3FB5] =	sst s7  }
0x10: {  	[smem:$0x3FB6] =	sst s8  }
0x11: {  	[smem:$0x3FB7] =	sst s9;
	s0 =	simm.s32 @!p0 $0x0  }
0x12: {  	s1 =	sld [smem:$0x3F9D];
	s0 =	simm.s32 @p0 $0x1  }
0x13: {  	[smem:$0x3FB8] =	sst s0;
	s0 =	simm.s32 @!p1 $0x0  }
0x14: {  	s2 =	sld [smem:$0x3F9C];
	s0 =	simm.s32 @p1 $0x1  }
0x15: {  	[smem:$0x3FB9] =	sst s0;
	s0 =	simm.s32 @!p2 $0x0  }
0x16: {  	s3 =	sld [smem:$0x3FDB];
	s0 =	simm.s32 @p2 $0x1  }
0x17: {  	s4 =	simm.s32 $0x1BF5;
	[smem:$0x3FBB] =	sst s0  }
0x18: {  	s0 =	sld [smem:$0x3F9E];
	_ =	swait.ge [sflag:s4], $0x0  }
0x19: {  	s7 =	sld [smem:$0x3F9F]  }
0x1a: {  	s8 =	sadd.s32 $0xFFFFE003, lr  }
0x1b: {  	s9 =	sadd.s32 $0xFFFFFEF7, lr;
	s5 =	simm.s32 $0xFFFFFFFF;
	p2 =	slt.u32 s8, $0xFFFFF086  }
0x1c: {  	p1 =	slt.u32 s9, $0xF7A;
	s5 =	simm.s32 @!p2 $0x0  }
0x1d: {  	s5 =	simm.s32 @p1 $0x1;
	p0 =	seq.s32 s7, s2  }
0x1e: {  	s7 =	smul.u32 @!p0 $0xF7A, s2;
	p2 =	seq.s32 @!p0 s5, $0x0  }
0x1f: {  	s9 =	smul.u32 $0xF7A, s1;
	s8 =	simm.s32 @!p0 $0x1BF5;
	p2 =	por !p2, p0  }
0x20: {  	[sflag:s8] =	ssyncset.s32 @!p0 $0xFFFFF086;
	s6 =	sadd.s32 @!p0 s3, s7;
	s7 =	simm.s32 @!p0 $0x108  }
0x21: {  	s3 =	sadd.s32 s3, s9;
	s6 =	sadd.s32 @!p0 $0x88, s6;
	s7 =	simm.s32 @p2 $0x1082  }
0x22: {  	[simem:s7], [sflag:s8] =	dma.local @!p0 [hbm:s6], $0xF7A  }
0x23: {  	s9 =	sor.u32 $0xD0000000, s2;
	s6 =	simm.s32 $0x108;
	_ =	swait.ge @!p0 [sflag:s8], $0x0  }
0x24: {  	s3 =	sadd.s32 $0x88, s3;
	s6 =	simm.s32 @!p1 $0x1082;
	[sflag:s4] =	ssyncset.s32 $0xFFFFF086  }
0x25: {  	[simem:s6], [sflag:s4] =	dma.local [hbm:s3], $0xF7A  }
0x26: {  	[smem:$0x3F9F] =	sst s1;
	(tag) =	ssettag s2;
	_ =	strace s9  }
0x27: {  	s1 =	sld [smem:$0x3FAF]  }
0x28: {  	s2 =	sld [smem:$0x3FB0]  }
0x29: {  	s4 =	sld [smem:$0x3FB2]  }
0x2a: {  	p0 =	seq.s32 s5, $0x0;
	s5 =	sld [smem:$0x3FB3]  }
0x2b: {  	s6 =	sld [smem:$0x3FB4]  }
0x2c: {  	s7 =	sld [smem:$0x3FB5]  }
0x2d: {  	s3 =	simm.s32 $0x108;
	s8 =	sld [smem:$0x3FB6]  }
0x2e: {  	s3 =	simm.s32 @!p0 $0x1082;
	s9 =	sld [smem:$0x3FB7]  }
0x2f: {  	lr =	sadd.s32 s0, s3;
	s0 =	sld [smem:$0x3FAE]  }
0x30: {  	s3 =	sld [smem:$0x3FB1]  }
0x31: {  	[smem:$0x3FBA] =	sst s10  }
0x32: {  	s10 =	sld [smem:$0x3FB8];
	_ =	sdelay $0x3  }
0x33: {  	p0 =	seq.s32 s10, $0x1;
	s10 =	sld [smem:$0x3FBA];
	_ =	sdelay $0x3  }
0x34: {  	[smem:$0x3FBA] =	sst s10  }
0x35: {  	s10 =	sld [smem:$0x3FB9];
	_ =	sdelay $0x3  }
0x36: {  	p1 =	seq.s32 s10, $0x1;
	s10 =	sld [smem:$0x3FBA];
	_ =	sdelay $0x3  }
0x37: {  	[smem:$0x3FBA] =	sst s10  }
0x38: {  	s10 =	sld [smem:$0x3FBB]  }
0x39: {  	_ = 	snop;
	(pc) =	sbr.ind lr, $3  }
0x3a: {  	_ = 	snop  }
0x3b: {  	_ = 	snop  }
0x3c: {  	p2 =	seq.s32 s10, $0x1;
	s10 =	sld [smem:$0x3FBA]  }
0x3d: {  	_ =	shalt  }
0x3e: {  	_ =	shalt  }
0x3f: {  	_ =	shalt  }
0x40: {  	_ =	shalt  }
0x41: {  	_ =	shalt  }
0x42: {  	_ =	shalt  }
0x43: {  	_ =	shalt  }
0x44: {  	_ =	shalt  }
0x45: {  	_ =	shalt  }
0x46: {  	_ =	shalt  }
0x47: {  	_ =	shalt  }
0x48: {  	_ =	shalt  }
0x49: {  	_ =	shalt  }
0x4a: {  	_ =	shalt  }
0x4b: {  	_ =	shalt  }
0x4c: {  	_ =	shalt  }
0x4d: {  	_ =	shalt  }
0x4e: {  	_ =	shalt  }
0x4f: {  	_ =	shalt  }
0x50: {  	_ =	shalt  }
0x51: {  	_ =	shalt  }
0x52: {  	_ =	shalt  }
0x53: {  	_ =	shalt  }
0x54: {  	_ =	shalt  }
0x55: {  	_ =	shalt  }
0x56: {  	_ =	shalt  }
0x57: {  	_ =	shalt  }
0x58: {  	_ =	shalt  }
0x59: {  	_ =	shalt  }
0x5a: {  	_ =	shalt  }
0x5b: {  	_ =	shalt  }
0x5c: {  	_ =	shalt  }
0x5d: {  	_ =	shalt  }
0x5e: {  	_ =	shalt  }
0x5f: {  	_ =	shalt  }
0x60: {  	_ =	shalt  }
0x61: {  	_ =	shalt  }
0x62: {  	_ =	shalt  }
0x63: {  	_ =	shalt  }
0x64: {  	_ =	shalt  }
0x65: {  	_ =	shalt  }
0x66: {  	_ =	shalt  }
0x67: {  	_ =	shalt  }
0x68: {  	_ =	shalt  }
0x69: {  	_ =	shalt  }
0x6a: {  	_ =	shalt  }
0x6b: {  	_ =	shalt  }
0x6c: {  	_ =	shalt  }
0x6d: {  	_ =	shalt  }
0x6e: {  	_ =	shalt  }
0x6f: {  	_ =	shalt  }
0x70: {  	_ =	shalt  }
0x71: {  	_ =	shalt  }
0x72: {  	_ =	shalt  }
0x73: {  	_ =	shalt  }
0x74: {  	_ =	shalt  }
0x75: {  	_ =	shalt  }
0x76: {  	_ =	shalt  }
0x77: {  	_ =	shalt  }
0x78: {  	_ =	shalt  }
0x79: {  	_ =	shalt  }
0x7a: {  	_ =	shalt  }
0x7b: {  	_ =	shalt  }
0x7c: {  	_ =	shalt  }
0x7d: {  	_ =	shalt  }
0x7e: {  	_ =	shalt  }
0x7f: {  	_ =	shalt  }
0x80: {  	_ =	shalt  }
0x81: {  	_ =	shalt  }
0x82: {  	_ =	shalt  }
0x83: {  	_ =	shalt  }
0x84: {  	_ =	shalt  }
0x85: {  	_ =	shalt  }
0x86: {  	_ =	shalt  }
0x87: {  	_ =	shalt  }
.Lfunc_end0:
.L_simem_size_0:
called_computation_lowered:
.L_overlay_start_0:
0x88: {  	s0 =	sld [smem:$0x3FD9]  }
0x89: {  	s1 =	sld [smem:$0x3FFE];
	_ =	sdelay $0x3  }
0x8a: {  	s0 =	sadd.s32 s1, s0  }
0x8b: {  	[smem:$0x3FC6] =	sst s0  }
0x8c: {  	_ = 	snop  }
0x8d: {  	s0 =	sld [smem:$0x3FC9]  }
0x8e: {  	s17 =	sld [smem:$0x3FC8]  }
0x8f: {  	s2 =	sld [smem:$0x3FD0];
	(tm) =	ssettm $0x1  }
0x90: {  	s3 =	sld [smem:$0x3FFB];
	_ =	sdelay $0x3  }
0x91: {  	_ =	strace s3  }
0x92: {  	s3 =	sld [smem:$0x3FFC];
	_ =	sdelay $0x3  }
0x93: {  	_ =	strace s3  }
0x94: {  	s3 =	sld [smem:$0x3FFD];
	_ =	sdelay $0x3  }
0x95: {  	_ =	strace s3  }
0x96: {  	_ =	strace $0x8FFFFFFF  }
0x97: {  	s18 =	sld [smem:$0x3FDB];
	_ =	sdelay $0x1  }
0x98: {  	s4 =	simm.s32 $_scs_section_size  }
0x99: {  	s5 =	simm.s32 $_size__tile_overlayer_lowered;
	s6 =	simm.s32 $_tile_overlayer_lowered  }
0x9a: {  	s21 =	simm.s32 $0x1BFF;
	s20 =	sshll.u32 s6, $0x1;
	s3 =	sadd.s32 s4, s18  }
0x9b: {  	s7 =	simm.s32 $0x0;
	s19 =	sshll.u32 s5, $0x1;
	s5 =	sadd.s32 s20, s3  }
0x9c: {  	[timem:s7], [sflag:s21] =	dma.local [hbm:s5], s19  }
0x9d: {  	_ =	swait.ge [sflag:s21], s19  }
0x9e: {  	s4 =	ssub.s32 $0x0, s19;
	[sflag:s21] =	ssyncset.done $0x0  }
0x9f: {  	[sflag:s21] =	ssyncadd.s32 s4;
	_ =	sdelay $0x1  }
0xa0: {  	s22 =	simm.s32 $0x1B8B  }
0xa1: {  	_ =	swait.ge [sflag:s22], $0x1  }
0xa2: {  	[sflag:s22] =	ssyncset.done $0x0  }
0xa3: {  	s23 =	simm.s32 $0x1B8E;
	[sflag:s22] =	ssyncadd.s32 $0xFFFFFFFF  }
0xa4: {  	s24 =	simm.s32 $execute0_lowered;
	[smem:$0x3FD2] =	sst s23  }
0xa5: {  	s4 =	sshll.u32 s24, $0x1;
	_ =	strace $0x80000046;
	[dreg:$0x1] =	wrdreg $0xFFFFFFFF  }
0xa6: {  	s25 =	simm.s32 $_size_execute0_lowered;
	s3 =	sadd.s32 s3, s4;
	[dreg:$0x0] =	wrdreg $0x0  }
0xa7: {  	s4 =	sshll.u32 s25, $0x1;
	[dreg:$0x2] =	wrdreg s3  }
0xa8: {  	[dreg:$0x3] =	wrdreg s4  }
0xa9: {  	[dreg:$0x4] =	wrdreg $0xC0  }
0xaa: {  	_ =	task [dreg:s7], $0x5FFFF  }
0xab: {  	[dreg:$0x1] =	wrdreg $0xFFFFFFFF  }
0xac: {  	[dreg:$0x0] =	wrdreg $0x60  }
0xad: {  	[dreg:$0x2] =	wrdreg s0  }
0xae: {  	[dreg:$0x3] =	wrdreg s17  }
0xaf: {  	[dreg:$0x4] =	wrdreg s2  }
0xb0: {  	[dreg:$0x5] =	wrdreg $0x9  }
0xb1: {  	_ =	task.clear_ibuf [dreg:s7], $0x6FFFF;
	_ =	strace $0x90000046  }
0xb2: {  	s26 =	simm.s32 $0x9;
	_ =	strace $0x80000048  }
0xb3: {  	_ =	swait.ge [sflag:s26], $0x1  }
0xb4: {  	[sflag:s26] =	ssyncadd.s32 $0xFFFFFFFF  }
0xb5: {  	_ =	strace $0x90000048  }
0xb6: {  	_ =	sfence  }
0xb7: {  	s28 =	sld [smem:$0x0];
	_ =	sdelay $0x1  }
0xb8: {  	s29 =	srdreg.scid  }
0xb9: {  	s30 =	sshll.u32 s29, $0xD;
	s31 =	sshrl.u32 s29, $0x2  }
0xba: {  	s1 =	sand.u32 $0x1, s29;
	s2 =	sand.u32 $0x4000, s30;
	s0 =	sadd.s32 s31, s28  }
0xbb: {  	s1 =	sor.u32 s2, s1;
	s0 =	sshll.u32 s0, $0x11  }
0xbc: {  	s0 =	sor.u32 s0, s1  }
0xbd: {  	s0 =	sadd.s32 $0x8F2B, s0  }
0xbe: {  	[sflag:s0] =	ssyncadd.remote.s32 $0x1  }
0xbf: {  	_ =	sfence.sel $0xFFFF  }
0xc0: {  	[dreg:$0x0] =	wrdreg $0xFFFFFFFF;
	(pc) =	sbr.abs _section_cstart, $3  }
0xc1: {  	[dreg:$0x1] =	wrdreg $0xFFFFFFFF  }
0xc2: {  	_ =	task.clear_ibuf [dreg:s7], $0x2FFFF;
	_ =	strace $0x9FFFFFFF  }
0xc3: {  	(tm) =	ssettm $0x7FFFFFFF  }
tec
execute0_lowered:
.L_overlay_start_1:
0x0: {  	(tag) =	ssettag $0x1  }
0x1: {  	s5 =	rddreg [dreg:$0x0]  }
0x2: {  	s6 =	rddreg [dreg:$0x1]  }
0x3: {  	s2 =	rddreg [dreg:$0x2];
	s3 =	simm.s32 $0x0;
	s1 =	stileid.u32  }
0x4: {  	[smem:$0x7FF] =	sst s3;
	s4 =	sshll.u32 s1, $0x7  }
0x5: {  	s0 =	rddreg [dreg:$0x3];
	_ =	strace $0x80000047;
	s5 =	sadd.s32 s5, s4  }
0x6: {  	[tilespmem:s3], [sflag:$0x1] =	stream.linear.gather [hbm4b:s5+s3], $0x80, $0x38;
	[tilespmem:$0x800] =	vst v63  }
0x7: {  	s8 =	simm.s32 $0x80;
	s7 =	sadd.s32 $0x10, s5  }
0x8: {  	[tilespmem:s8], [sflag:$0x1] =	stream.linear.gather [hbm4b:s7+s3], $0x80, $0x38;
	[tilespmem:$0x800] =	vst v63  }
0x9: {  	s9 =	simm.s32 $0x100;
	s16 =	sadd.s32 $0x20, s5  }
0xa: {  	[tilespmem:s9], [sflag:$0x1] =	stream.linear.gather [hbm4b:s16+s3], $0x80, $0x38;
	[tilespmem:$0x800] =	vst v63  }
0xb: {  	s10 =	simm.s32 $0x180;
	s17 =	sadd.s32 $0x30, s5  }
0xc: {  	[tilespmem:s10], [sflag:$0x1] =	stream.linear.gather [hbm4b:s17+s3], $0x80, $0x38;
	[tilespmem:$0x800] =	vst v63  }
0xd: {  	s11 =	simm.s32 $0x200;
	s18 =	sadd.s32 $0x40, s5  }
0xe: {  	[tilespmem:s11], [sflag:$0x1] =	stream.linear.gather [hbm4b:s18+s3], $0x80, $0x38;
	[tilespmem:$0x800] =	vst v63  }
0xf: {  	s12 =	simm.s32 $0x280;
	s19 =	sadd.s32 $0x50, s5  }
0x10: {  	[tilespmem:s12], [sflag:$0x1] =	stream.linear.gather [hbm4b:s19+s3], $0x80, $0x38;
	[tilespmem:$0x800] =	vst v63  }
0x11: {  	s13 =	simm.s32 $0x300;
	s20 =	sadd.s32 $0x60, s5  }
0x12: {  	[tilespmem:s13], [sflag:$0x1] =	stream.linear.gather [hbm4b:s20+s3], $0x80, $0x38;
	[tilespmem:$0x800] =	vst v63  }
0x13: {  	s21 =	simm.s32 $0x380;
	s14 =	simm.s32 $0x1;
	s5 =	sadd.s32 $0x70, s5  }
0x14: {  	[tilespmem:s21], [sflag:$0x1] =	stream.linear.gather [hbm4b:s5+s3], $0x80, $0x38;
	[tilespmem:$0x800] =	vst v63  }
0x15: {  	_ =	swait.ge [sflag:s14], $0x80  }
0x16: {  	[sflag:s14] =	ssyncset.done $0x0  }
0x17: {  	s22 =	simm.s32 $0x400;
	[sflag:s14] =	ssyncadd.s32 $0xFFFFFF80  }
0x18: {  	[tilespmem:s22], [sflag:$0x2] =	stream.indirect.gather [hbm4b:s6+s8], $0x1, s3, s8, $0xb8;
	[tilespmem:$0x800] =	vst v63  }
0x19: {  	_ =	swait.ge [sflag:s14], $0x80  }
0x1a: {  	[sflag:s14] =	ssyncset.done $0x0  }
0x1b: {  	s15 =	simm.s32 $0x480;
	[sflag:s14] =	ssyncadd.s32 $0xFFFFFF80  }
0x1c: {  	[tilespmem:s15], [sflag:$0x2] =	stream.indirect.gather [hbm4b:s6+s8], $0x1, s8, s8, $0xb8;
	[tilespmem:$0x800] =	vst v63  }
0x1d: {  	_ =	swait.ge [sflag:s14], $0x80  }
0x1e: {  	[sflag:s14] =	ssyncset.done $0x0  }
0x1f: {  	s23 =	simm.s32 $0x500;
	[sflag:s14] =	ssyncadd.s32 $0xFFFFFF80  }
0x20: {  	[tilespmem:s23], [sflag:$0x2] =	stream.indirect.gather [hbm4b:s6+s8], $0x1, s9, s8, $0xb8;
	[tilespmem:$0x800] =	vst v63  }
0x21: {  	_ =	swait.ge [sflag:s14], $0x80  }
0x22: {  	[sflag:s14] =	ssyncset.done $0x0  }
0x23: {  	s24 =	simm.s32 $0x580;
	[sflag:s14] =	ssyncadd.s32 $0xFFFFFF80  }
0x24: {  	[tilespmem:s24], [sflag:$0x2] =	stream.indirect.gather [hbm4b:s6+s8], $0x1, s10, s8, $0xb8;
	[tilespmem:$0x800] =	vst v63  }
0x25: {  	_ =	swait.ge [sflag:s14], $0x80  }
0x26: {  	[sflag:s14] =	ssyncset.done $0x0  }
0x27: {  	s25 =	simm.s32 $0x600;
	[sflag:s14] =	ssyncadd.s32 $0xFFFFFF80  }
0x28: {  	[tilespmem:s25], [sflag:$0x2] =	stream.indirect.gather [hbm4b:s6+s8], $0x1, s11, s8, $0xb8;
	[tilespmem:$0x800] =	vst v63  }
0x29: {  	_ =	swait.ge [sflag:s14], $0x80  }
0x2a: {  	[sflag:s14] =	ssyncset.done $0x0  }
0x2b: {  	s26 =	simm.s32 $0x680;
	[sflag:s14] =	ssyncadd.s32 $0xFFFFFF80  }
0x2c: {  	[tilespmem:s26], [sflag:$0x2] =	stream.indirect.gather [hbm4b:s6+s8], $0x1, s12, s8, $0xb8;
	[tilespmem:$0x800] =	vst v63  }
0x2d: {  	_ =	swait.ge [sflag:s14], $0x80  }
0x2e: {  	[sflag:s14] =	ssyncset.done $0x0  }
0x2f: {  	s28 =	simm.s32 $0x700;
	[sflag:s14] =	ssyncadd.s32 $0xFFFFFF80  }
0x30: {  	[tilespmem:s28], [sflag:$0x2] =	stream.indirect.gather [hbm4b:s6+s8], $0x1, s13, s8, $0xb8;
	[tilespmem:$0x800] =	vst v63  }
0x31: {  	_ =	swait.ge [sflag:s14], $0x80  }
0x32: {  	[sflag:s14] =	ssyncset.done $0x0  }
0x33: {  	s29 =	simm.s32 $0x780;
	s30 =	simm.s32 $0x2;
	[sflag:s14] =	ssyncadd.s32 $0xFFFFFF80  }
0x34: {  	[tilespmem:s29], [sflag:$0x2] =	stream.indirect.gather [hbm4b:s6+s8], $0x1, s21, s8, $0xb8;
	[tilespmem:$0x800] =	vst v63  }
0x35: {  	_ =	swait.ge [sflag:s30], $0x80  }
0x36: {  	[sflag:s30] =	ssyncset.done $0x0  }
0x37: {  	[sflag:s30] =	ssyncadd.s32 $0xFFFFFF80  }
0x38: {  	_ =	swait.ge [sflag:s30], $0x80  }
0x39: {  	[sflag:s30] =	ssyncset.done $0x0  }
0x3a: {  	[sflag:s30] =	ssyncadd.s32 $0xFFFFFF80  }
0x3b: {  	_ =	swait.ge [sflag:s30], $0x80  }
0x3c: {  	[sflag:s30] =	ssyncset.done $0x0  }
0x3d: {  	[sflag:s30] =	ssyncadd.s32 $0xFFFFFF80  }
0x3e: {  	_ =	swait.ge [sflag:s30], $0x80  }
0x3f: {  	[sflag:s30] =	ssyncset.done $0x0  }
0x40: {  	[sflag:s30] =	ssyncadd.s32 $0xFFFFFF80  }
0x41: {  	_ =	swait.ge [sflag:s30], $0x80  }
0x42: {  	[sflag:s30] =	ssyncset.done $0x0  }
0x43: {  	[sflag:s30] =	ssyncadd.s32 $0xFFFFFF80  }
0x44: {  	_ =	swait.ge [sflag:s30], $0x80  }
0x45: {  	[sflag:s30] =	ssyncset.done $0x0  }
0x46: {  	[sflag:s30] =	ssyncadd.s32 $0xFFFFFF80  }
0x47: {  	_ =	swait.ge [sflag:s30], $0x80  }
0x48: {  	[sflag:s30] =	ssyncset.done $0x0  }
0x49: {  	[sflag:s30] =	ssyncadd.s32 $0xFFFFFF80  }
0x4a: {  	_ =	swait.ge [sflag:s30], $0x80  }
0x4b: {  	[sflag:s30] =	ssyncset.done $0x0  }
0x4c: {  	[sflag:s30] =	ssyncadd.s32 $0xFFFFFF80  }
0x4d: {  	v0 =	vld [tilespmem:$0x400]  }
0x4e: {  	v1 =	vld [tilespmem:$0x410]  }
0x4f: {  	v2 =	vld [tilespmem:$0x420]  }
0x50: {  	v3 =	vld [tilespmem:$0x430]  }
0x51: {  	v4 =	vld [tilespmem:$0x440]  }
0x52: {  	v5 =	vld [tilespmem:$0x450];
	v0 =	vadd.f32 $-5.000000000e-01, v0  }
0x53: {  	v6 =	vld [tilespmem:$0x460];
	v1 =	vadd.f32 $-5.000000000e-01, v1  }
0x54: {  	v56 =	vld [tilespmem:$0x470];
	v55 =	vadd.f32 $-5.000000000e-01, v2;
	[tilespmem:$0x400] =	vst v0  }
0x55: {  	v58 =	vld [tilespmem:$0x480];
	v57 =	vadd.f32 $-5.000000000e-01, v3;
	[tilespmem:$0x410] =	vst v1  }
0x56: {  	v60 =	vld [tilespmem:$0x490];
	v59 =	vadd.f32 $-5.000000000e-01, v4;
	[tilespmem:$0x420] =	vst v55  }
0x57: {  	v62 =	vld [tilespmem:$0x4A0];
	v61 =	vadd.f32 $-5.000000000e-01, v5;
	[tilespmem:$0x430] =	vst v57  }
0x58: {  	v9 =	vld [tilespmem:$0x4B0];
	v63 =	vadd.f32 $-5.000000000e-01, v6;
	[tilespmem:$0x440] =	vst v59  }
0x59: {  	v11 =	vld [tilespmem:$0x4C0];
	v10 =	vadd.f32 $-5.000000000e-01, v56;
	[tilespmem:$0x450] =	vst v61  }
0x5a: {  	v13 =	vld [tilespmem:$0x4D0];
	v12 =	vadd.f32 $-5.000000000e-01, v58;
	[tilespmem:$0x460] =	vst v63  }
0x5b: {  	v15 =	vld [tilespmem:$0x4E0];
	v14 =	vadd.f32 $-5.000000000e-01, v60;
	[tilespmem:$0x470] =	vst v10  }
0x5c: {  	v17 =	vld [tilespmem:$0x4F0];
	v16 =	vadd.f32 $-5.000000000e-01, v62;
	[tilespmem:$0x480] =	vst v12  }
0x5d: {  	v19 =	vld [tilespmem:$0x500];
	v18 =	vadd.f32 $-5.000000000e-01, v9;
	[tilespmem:$0x490] =	vst v14  }
0x5e: {  	v21 =	vld [tilespmem:$0x510];
	v20 =	vadd.f32 $-5.000000000e-01, v11;
	[tilespmem:$0x4A0] =	vst v16  }
0x5f: {  	v23 =	vld [tilespmem:$0x520];
	v22 =	vadd.f32 $-5.000000000e-01, v13;
	[tilespmem:$0x4B0] =	vst v18  }
0x60: {  	v25 =	vld [tilespmem:$0x530];
	v24 =	vadd.f32 $-5.000000000e-01, v15;
	[tilespmem:$0x4C0] =	vst v20  }
0x61: {  	v27 =	vld [tilespmem:$0x540];
	v26 =	vadd.f32 $-5.000000000e-01, v17;
	[tilespmem:$0x4D0] =	vst v22  }
0x62: {  	v29 =	vld [tilespmem:$0x550];
	v28 =	vadd.f32 $-5.000000000e-01, v19;
	[tilespmem:$0x4E0] =	vst v24  }
0x63: {  	v31 =	vld [tilespmem:$0x560];
	v30 =	vadd.f32 $-5.000000000e-01, v21;
	[tilespmem:$0x4F0] =	vst v26  }
0x64: {  	v33 =	vld [tilespmem:$0x570];
	v32 =	vadd.f32 $-5.000000000e-01, v23;
	[tilespmem:$0x500] =	vst v28  }
0x65: {  	v35 =	vld [tilespmem:$0x580];
	v34 =	vadd.f32 $-5.000000000e-01, v25;
	[tilespmem:$0x510] =	vst v30  }
0x66: {  	v37 =	vld [tilespmem:$0x590];
	v36 =	vadd.f32 $-5.000000000e-01, v27;
	[tilespmem:$0x520] =	vst v32  }
0x67: {  	v39 =	vld [tilespmem:$0x5A0];
	v38 =	vadd.f32 $-5.000000000e-01, v29;
	[tilespmem:$0x530] =	vst v34  }
0x68: {  	v41 =	vld [tilespmem:$0x5B0];
	v40 =	vadd.f32 $-5.000000000e-01, v31;
	[tilespmem:$0x540] =	vst v36  }
0x69: {  	v43 =	vld [tilespmem:$0x5C0];
	v42 =	vadd.f32 $-5.000000000e-01, v33;
	[tilespmem:$0x550] =	vst v38  }
0x6a: {  	v45 =	vld [tilespmem:$0x5D0];
	v44 =	vadd.f32 $-5.000000000e-01, v35;
	[tilespmem:$0x560] =	vst v40  }
0x6b: {  	v47 =	vld [tilespmem:$0x5E0];
	v46 =	vadd.f32 $-5.000000000e-01, v37;
	[tilespmem:$0x570] =	vst v42  }
0x6c: {  	v49 =	vld [tilespmem:$0x5F0];
	v48 =	vadd.f32 $-5.000000000e-01, v39;
	[tilespmem:$0x580] =	vst v44  }
0x6d: {  	v51 =	vld [tilespmem:$0x600];
	v50 =	vadd.f32 $-5.000000000e-01, v41;
	[tilespmem:$0x590] =	vst v46  }
0x6e: {  	v53 =	vld [tilespmem:$0x610];
	v52 =	vadd.f32 $-5.000000000e-01, v43;
	[tilespmem:$0x5A0] =	vst v48  }
0x6f: {  	v54 =	vadd.f32 $-5.000000000e-01, v45;
	[tilespmem:$0x5B0] =	vst v50;
	v55 =	vld [tilespmem:$0x620]  }
0x70: {  	v56 =	vadd.f32 $-5.000000000e-01, v47;
	[tilespmem:$0x5C0] =	vst v52;
	v57 =	vld [tilespmem:$0x630]  }
0x71: {  	v58 =	vadd.f32 $-5.000000000e-01, v49;
	[tilespmem:$0x5D0] =	vst v54;
	v59 =	vld [tilespmem:$0x640]  }
0x72: {  	v60 =	vadd.f32 $-5.000000000e-01, v51;
	[tilespmem:$0x5E0] =	vst v56;
	v61 =	vld [tilespmem:$0x650]  }
0x73: {  	v62 =	vadd.f32 $-5.000000000e-01, v53;
	[tilespmem:$0x5F0] =	vst v58;
	v63 =	vld [tilespmem:$0x660]  }
0x74: {  	[tilespmem:$0x600] =	vst v60;
	v10 =	vld [tilespmem:$0x670];
	v9 =	vadd.f32 $-5.000000000e-01, v55  }
0x75: {  	[tilespmem:$0x610] =	vst v62;
	v12 =	vld [tilespmem:$0x680];
	v11 =	vadd.f32 $-5.000000000e-01, v57  }
0x76: {  	v14 =	vld [tilespmem:$0x690];
	v13 =	vadd.f32 $-5.000000000e-01, v59;
	[tilespmem:$0x620] =	vst v9  }
0x77: {  	v16 =	vld [tilespmem:$0x6A0];
	v15 =	vadd.f32 $-5.000000000e-01, v61;
	[tilespmem:$0x630] =	vst v11  }
0x78: {  	v18 =	vld [tilespmem:$0x6B0];
	v17 =	vadd.f32 $-5.000000000e-01, v63;
	[tilespmem:$0x640] =	vst v13  }
0x79: {  	v20 =	vld [tilespmem:$0x6C0];
	v19 =	vadd.f32 $-5.000000000e-01, v10;
	[tilespmem:$0x650] =	vst v15  }
0x7a: {  	v22 =	vld [tilespmem:$0x6D0];
	v21 =	vadd.f32 $-5.000000000e-01, v12;
	[tilespmem:$0x660] =	vst v17  }
0x7b: {  	v24 =	vld [tilespmem:$0x6E0];
	v23 =	vadd.f32 $-5.000000000e-01, v14;
	[tilespmem:$0x670] =	vst v19  }
0x7c: {  	v26 =	vld [tilespmem:$0x6F0];
	v25 =	vadd.f32 $-5.000000000e-01, v16;
	[tilespmem:$0x680] =	vst v21  }
0x7d: {  	v28 =	vld [tilespmem:$0x700];
	v27 =	vadd.f32 $-5.000000000e-01, v18;
	[tilespmem:$0x690] =	vst v23  }
0x7e: {  	v30 =	vld [tilespmem:$0x710];
	v29 =	vadd.f32 $-5.000000000e-01, v20;
	[tilespmem:$0x6A0] =	vst v25  }
0x7f: {  	v32 =	vld [tilespmem:$0x720];
	v31 =	vadd.f32 $-5.000000000e-01, v22;
	[tilespmem:$0x6B0] =	vst v27  }
0x80: {  	v34 =	vld [tilespmem:$0x730];
	v33 =	vadd.f32 $-5.000000000e-01, v24;
	[tilespmem:$0x6C0] =	vst v29  }
0x81: {  	v36 =	vld [tilespmem:$0x740];
	v35 =	vadd.f32 $-5.000000000e-01, v26;
	[tilespmem:$0x6D0] =	vst v31  }
0x82: {  	v38 =	vld [tilespmem:$0x750];
	v37 =	vadd.f32 $-5.000000000e-01, v28;
	[tilespmem:$0x6E0] =	vst v33  }
0x83: {  	v40 =	vld [tilespmem:$0x760];
	v39 =	vadd.f32 $-5.000000000e-01, v30;
	[tilespmem:$0x6F0] =	vst v35  }
0x84: {  	v42 =	vld [tilespmem:$0x770];
	v41 =	vadd.f32 $-5.000000000e-01, v32;
	[tilespmem:$0x700] =	vst v37  }
0x85: {  	v44 =	vld [tilespmem:$0x780];
	v43 =	vadd.f32 $-5.000000000e-01, v34;
	[tilespmem:$0x710] =	vst v39  }
0x86: {  	v46 =	vld [tilespmem:$0x790];
	v45 =	vadd.f32 $-5.000000000e-01, v36;
	[tilespmem:$0x720] =	vst v41  }
0x87: {  	v48 =	vld [tilespmem:$0x7A0];
	v47 =	vadd.f32 $-5.000000000e-01, v38;
	[tilespmem:$0x730] =	vst v43  }
0x88: {  	v50 =	vld [tilespmem:$0x7B0];
	v49 =	vadd.f32 $-5.000000000e-01, v40;
	[tilespmem:$0x740] =	vst v45  }
0x89: {  	v52 =	vld [tilespmem:$0x7C0];
	v51 =	vadd.f32 $-5.000000000e-01, v42;
	[tilespmem:$0x750] =	vst v47  }
0x8a: {  	v54 =	vld [tilespmem:$0x7D0];
	v53 =	vadd.f32 $-5.000000000e-01, v44;
	[tilespmem:$0x760] =	vst v49  }
0x8b: {  	v56 =	vld [tilespmem:$0x7E0];
	v55 =	vadd.f32 $-5.000000000e-01, v46;
	[tilespmem:$0x770] =	vst v51  }
0x8c: {  	v58 =	vld [tilespmem:$0x7F0];
	v57 =	vadd.f32 $-5.000000000e-01, v48;
	[tilespmem:$0x780] =	vst v53  }
0x8d: {  	v59 =	vadd.f32 $-5.000000000e-01, v50;
	[tilespmem:$0x790] =	vst v55  }
0x8e: {  	v60 =	vadd.f32 $-5.000000000e-01, v52;
	[tilespmem:$0x7A0] =	vst v57  }
0x8f: {  	v61 =	vadd.f32 $-5.000000000e-01, v54;
	[tilespmem:$0x7B0] =	vst v59  }
0x90: {  	v62 =	vadd.f32 $-5.000000000e-01, v56;
	[tilespmem:$0x7C0] =	vst v60  }
0x91: {  	v63 =	vadd.f32 $-5.000000000e-01, v58;
	[tilespmem:$0x7D0] =	vst v61  }
0x92: {  	[tilespmem:$0x7E0] =	vst v62  }
0x93: {  	s31 =	simm.s32 $0x3;
	s2 =	sadd.s32 s2, s4;
	[tilespmem:$0x7F0] =	vst v63  }
0x94: {  	[hbm4b:s2+s3] =	stream.linear.scatter [tilespmem:s22], [sflag:$0x3], $0x400, $0x38;
	[tilespmem:$0x800] =	vst v63  }
0x95: {  	_ =	swait.ge [sflag:s31], $0x400  }
0x96: {  	[sflag:s31] =	ssyncset.done $0x0  }
0x97: {  	[sflag:s31] =	ssyncadd.s32 $0xFFFFFC00  }
0x98: {  	_ =	sfence.sel $0x180000  }
0x99: {  	[bflag:$0x0] =	sbarrier.arrive $0xFFFF  }
0x9a: {  	p0 =	sne.s32 s1, $0x0;
	_ =	strace $0x90000047  }
0x9b: {  	s0 =	sadd.s32 @!p0 $0x100000, s0;
	[bflag:$0x2] =	sbarrier.arrive $0xFFFF  }
0x9c: {  	[sflag:s0] =	ssyncadd.tile.s32 @!p0 $0x1;
	_ =	shalt  }
.Lfunc_end2:
_tile_overlayer_lowered:
.L_overlay_start_2:
0x9d: {  	(tag) =	ssettag $0x2  }
0x9e: {  	s0 =	rddreg [dreg:$0x0];
	s2 =	stileid.u32  }
0x9f: {  	s1 =	rddreg [dreg:$0x1];
	p0 =	sne.s32 s2, $0x0  }
0xa0: {  	s3 =	rddreg [dreg:$0x2];
	[bflag:$0x3] =	sbarrier.arrive $0xFFFF;
	s2 =	simm.s32 @!p0 $0x1C03  }
0xa1: {  	[timem:s3], [sflag:s2] =	dma.local @!p0 [hbm:s0], s1  }
0xa2: {  	s0 =	simm.s32 @!p0 $0x3  }
0xa3: {  	_ =	swait.ge @!p0 [sflag:s0], s1  }
0xa4: {  	s1 =	ssub.s32 @!p0 $0x0, s1;
	[sflag:s0] =	ssyncset.done @!p0 $0x0  }
0xa5: {  	[sflag:s0] =	ssyncadd.s32 @!p0 s1  }
0xa6: {  	[bflag:$0x3] =	sbarrier.arrive $0xFFFF  }
0xa7: {  	_ =	shalt  }

</sc_bundles>
